<compile_context>
chip_gen: v7x
topology: tpu7x:2x2x1
jax: 0.10.2.dev20260603
libtpu: 0.0.44.dev20260713+nightly
codegen_flags: <defaults>
</compile_context>

<pallas_src>
import functools

import numpy as np
import jax
from jax import lax
import jax.numpy as jnp
from jax.experimental import pallas as pl
from jax.experimental.pallas import tpu as pltpu
from jax.experimental.pallas import tpu_sc as plsc

B, C, H, W = 4, 3, 384, 384
P = 16
E = 8
EMB = 256
D = C * P * P
T = B * (H // P) * (W // P)
A = 2 * T
BLK = 256
NBLK = A // BLK + E - 1
NBLK_PAD = 32
APAD = NBLK * BLK


def _gate_kernel(flat_ref, wg_ref, bg_ref, tri_ref, tril_ref, stril_ref,
                 sc_ref, pos_ref, cnt_ref, prob_ref, blk_ref):
    flat = flat_ref[...]
    logits = jnp.dot(flat, wg_ref[...], preferred_element_type=jnp.float32)
    logits = logits + bg_ref[...]
    iota = jax.lax.broadcasted_iota(jnp.int32, (T, E), 1)
    m1 = jnp.max(logits, axis=1, keepdims=True)
    i1 = jnp.min(jnp.where(logits == m1, iota, E), axis=1, keepdims=True)
    mask1 = iota == i1
    l2 = jnp.where(mask1, -1e30, logits)
    m2 = jnp.max(l2, axis=1, keepdims=True)
    i2 = jnp.min(jnp.where(l2 == m2, iota, E), axis=1, keepdims=True)
    mask2 = iota == i2
    s1 = 1.0 / (1.0 + jnp.exp(m2 - m1))
    sc_ref[...] = jnp.concatenate([s1, 1.0 - s1], axis=1)
    p = jnp.exp(logits - m1)
    p = p / jnp.sum(p, axis=1, keepdims=True)
    prob_ref[...] = jnp.sum(p, axis=0, keepdims=True)
    m12 = (mask1 | mask2).astype(jnp.float32)
    tril = tril_ref[...]
    m3 = m12.reshape(T // 128, 128, E)
    ic = jnp.stack([jnp.dot(tril, m3[ci], preferred_element_type=jnp.float32)
                    for ci in range(T // 128)], axis=0)
    totals = jnp.sum(m3, axis=1)
    off = jnp.dot(stril_ref[...], totals, preferred_element_type=jnp.float32)
    cb = (ic + off[:, None, :]).reshape(T, E)
    cnt = jnp.sum(m12, axis=0, keepdims=True)
    cnt_ref[...] = cnt
    excl = cb - m12
    nb = jnp.floor((cnt + (BLK - 1)) * (1.0 / BLK))
    csum = jnp.dot(nb, tri_ref[...], preferred_element_type=jnp.float32)
    base = (csum - nb) * BLK
    pe = base + excl
    pos1 = jnp.sum(jnp.where(mask1, pe, 0.0), axis=1, keepdims=True)
    pos2 = jnp.sum(jnp.where(mask2, pe, 0.0), axis=1, keepdims=True)
    pos_ref[...] = jnp.concatenate([pos1, pos2], axis=1).astype(jnp.int32)
    bcol = jax.lax.broadcasted_iota(jnp.int32, (NBLK_PAD, E), 0)
    csum_i = jnp.broadcast_to(csum, (NBLK_PAD, E)).astype(jnp.int32)
    ge = (bcol >= csum_i).astype(jnp.int32)
    blk_ref[...] = jnp.minimum(jnp.sum(ge, axis=1, keepdims=True), E - 1)


def _run_gate(flat, Wg, bg):
    tri = jnp.triu(jnp.ones((E, E), jnp.float32))
    tril = jnp.tril(jnp.ones((128, 128), jnp.float32))
    stril = jnp.tril(jnp.ones((T // 128, T // 128), jnp.float32), k=-1)
    return pl.pallas_call(
        _gate_kernel,
        out_shape=(
            jax.ShapeDtypeStruct((T, 2), jnp.float32),
            jax.ShapeDtypeStruct((T, 2), jnp.int32),
            jax.ShapeDtypeStruct((1, E), jnp.float32),
            jax.ShapeDtypeStruct((1, E), jnp.float32),
            jax.ShapeDtypeStruct((NBLK_PAD, 1), jnp.int32),
        ),
    )(flat, Wg, bg.reshape(1, E), tri, tril, stril)


def _expert_kernel(be_ref, xs_ref, m1_ref, b1_ref, w1_ref, b1p_ref,
                   w2d_ref, b2d_ref, w2p_ref, b2p_ref, w3d_ref, b3d_ref,
                   w3p_ref, b3p_ref, wh_ref, wr_ref, bhr_ref, we_ref, bec_ref,
                   z_ref):
    del be_ref
    xsT = xs_ref[...].T
    h1 = jnp.dot(m1_ref[0], xsT, preferred_element_type=jnp.float32)
    h1 = jnp.maximum(h1 + b1_ref[0], 0.0)
    h1r = h1.reshape(3, 8, 8, BLK)
    h2 = h1r[0][:, :, None, :] * w1_ref[0, 0]
    h2 = h2 + h1r[1][:, :, None, :] * w1_ref[0, 1]
    h2 = h2 + h1r[2][:, :, None, :] * w1_ref[0, 2]
    h2 = jnp.maximum(h2 + b1p_ref[0], 0.0)
    h2p = jnp.pad(h2, ((1, 1), (1, 1), (0, 0), (0, 0)))
    h2v = h2p.reshape(5, 2, 5, 2, 64, BLK)
    acc = jnp.zeros((4, 4, 64, BLK), jnp.float32)
    for ky in range(3):
        qy, ry = ky // 2, ky % 2
        for kx in range(3):
            qx, rx = kx // 2, kx % 2
            sl = h2v[qy:qy + 4, ry, qx:qx + 4, rx]
            acc = acc + sl * w2d_ref[0, 3 * ky + kx]
    h3 = jnp.maximum(acc + b2d_ref[0], 0.0)
    h3f = h3.reshape(16, 64, BLK)
    w2p = w2p_ref[0]
    h4 = jnp.stack([jnp.dot(w2p, h3f[p], preferred_element_type=jnp.float32)
                    for p in range(16)], axis=0)
    h4 = jnp.maximum(h4.reshape(4, 4, 128, BLK) + b2p_ref[0], 0.0)
    h4p = jnp.pad(h4, ((1, 1), (1, 1), (0, 0), (0, 0)))
    h4v = h4p.reshape(3, 2, 3, 2, 128, BLK)
    acc3 = jnp.zeros((2, 2, 128, BLK), jnp.float32)
    for ky in range(3):
        qy, ry = ky // 2, ky % 2
        for kx in range(3):
            qx, rx = kx // 2, kx % 2
            sl = h4v[qy:qy + 2, ry, qx:qx + 2, rx]
            acc3 = acc3 + sl * w3d_ref[0, 3 * ky + kx]
    h5 = jnp.maximum(acc3 + b3d_ref[0], 0.0)
    h5f = h5.reshape(4, 128, BLK)
    w3p = w3p_ref[0]
    b3p = b3p_ref[0]
    feats = jnp.zeros((EMB, BLK), jnp.float32)
    for pix in range(4):
        feats = feats + jnp.maximum(
            jnp.dot(w3p, h5f[pix], preferred_element_type=jnp.float32) + b3p,
            0.0)
    feats = feats * 0.25
    y = jnp.dot(wh_ref[0].astype(jnp.bfloat16), feats.astype(jnp.bfloat16),
                preferred_element_type=jnp.float32)
    y = y + jnp.dot(wr_ref[0].astype(jnp.bfloat16), xsT.astype(jnp.bfloat16),
                    preferred_element_type=jnp.float32)
    y = y + bhr_ref[0]
    z = jnp.dot(we_ref[...].astype(jnp.bfloat16), y.astype(jnp.bfloat16),
                preferred_element_type=jnp.float32)
    z_ref[...] = (z + bec_ref[...]).T


def _run_experts(blk_expert, xs, M1, b1c, w1r, b1p, w2d, b2d, w2p, b2p,
                 w3d, b3d, w3p, b3p, Wh, Wr, bhr, We, beC):
    def em(b, s):
        return (s[b], 0, 0)

    def em4(b, s):
        return (s[b], 0, 0, 0)

    grid_spec = pltpu.PrefetchScalarGridSpec(
        num_scalar_prefetch=1,
        grid=(NBLK,),
        in_specs=[
            pl.BlockSpec((BLK, D), lambda b, s: (b, 0)),
            pl.BlockSpec((1, 192, D), em),
            pl.BlockSpec((1, 192, 1), em),
            pl.BlockSpec((1, 3, 64, 1), em4),
            pl.BlockSpec((1, 64, 1), em),
            pl.BlockSpec((1, 9, 64, 1), em4),
            pl.BlockSpec((1, 64, 1), em),
            pl.BlockSpec((1, 128, 64), em),
            pl.BlockSpec((1, 128, 1), em),
            pl.BlockSpec((1, 9, 128, 1), em4),
            pl.BlockSpec((1, 128, 1), em),
            pl.BlockSpec((1, EMB, 128), em),
            pl.BlockSpec((1, EMB, 1), em),
            pl.BlockSpec((1, D, EMB), em),
            pl.BlockSpec((1, D, D), em),
            pl.BlockSpec((1, D, 1), em),
            pl.BlockSpec((EMB, D), lambda b, s: (0, 0)),
            pl.BlockSpec((EMB, 1), lambda b, s: (0, 0)),
        ],
        out_specs=pl.BlockSpec((BLK, EMB), lambda b, s: (b, 0)),
    )
    return pl.pallas_call(
        _expert_kernel,
        grid_spec=grid_spec,
        out_shape=jax.ShapeDtypeStruct((APAD, EMB), jnp.float32),
    )(blk_expert, xs, M1, b1c, w1r, b1p, w2d, b2d, w2p, b2p, w3d, b3d,
      w3p, b3p, Wh, Wr, bhr, We, beC)


_G = np.zeros((27, 192 * 768), np.float32)
for _c in range(3):
    for _i in range(8):
        for _j in range(8):
            for _ky in range(3):
                for _kx in range(3):
                    _si, _sj = 2 * _i + _ky - 1, 2 * _j + _kx - 1
                    if 0 <= _si < 16 and 0 <= _sj < 16:
                        _row = _c * 64 + _i * 8 + _j
                        _col = _c * 256 + _si * 16 + _sj
                        _G[_c * 9 + _ky * 3 + _kx, _row * 768 + _col] = 1.0


def _patch_kernel(x_ref, o_ref):
    xv = x_ref[0, :, 0]
    o_ref[...] = xv.reshape(3, 16, 24, 16).transpose(2, 0, 1, 3).reshape(
        24, D)


def _run_patchify(x):
    hp = H // P
    xr = x.reshape(B, C, hp, P, hp * P)
    return pl.pallas_call(
        _patch_kernel,
        grid=(B * hp,),
        in_specs=[pl.BlockSpec((1, C, 1, P, hp * P),
                               lambda g: (g // hp, 0, g % hp, 0, 0))],
        out_specs=pl.BlockSpec((24, D), lambda g: (g, 0)),
        out_shape=jax.ShapeDtypeStruct((T, D), jnp.float32),
    )(xr)


_NW = 32
_RPW = APAD // _NW


def _gather_sc(flat_hbm, src_hbm, out_hbm, idx_v, rows_v, sem):
    wid = lax.axis_index("s") * 2 + lax.axis_index("c")
    for off, n in ((0, 120), (120, 80)):
        base = wid * _RPW + off
        idx = idx_v.at[pl.ds(0, n)]
        rows = rows_v.at[pl.ds(0, n)]
        pltpu.sync_copy(src_hbm.at[pl.ds(base, n)], idx)
        pltpu.async_copy(flat_hbm.at[idx], rows, sem).wait()
        pltpu.sync_copy(rows, out_hbm.at[pl.ds(base, n)])


def _run_gather(flat, src):
    fn = pl.kernel(
        _gather_sc,
        mesh=plsc.VectorSubcoreMesh(core_axis_name="c", subcore_axis_name="s"),
        out_type=jax.ShapeDtypeStruct((APAD, D), jnp.float32),
        scratch_types=[
            pltpu.VMEM((120,), jnp.int32),
            pltpu.VMEM((120, D), jnp.float32),
            pltpu.SemaphoreType.DMA,
        ],
    )
    return fn(flat, src)


def kernel(x, dw1_w, dw1_b, pw1_w, pw1_b, dw2_w, dw2_b, pw2_w, pw2_b,
           dw3_w, dw3_b, pw3_w, pw3_b, Wh, bh, Wr, br, Wg, bg, We, be):
    hp, wp = H // P, W // P
    N = hp * wp
    flat = _run_patchify(x)

    sc, pos, cnt_f, prob_sum, blk_e = _run_gate(flat, Wg, bg)
    l_aux = jnp.sum((cnt_f[0] / A) * (prob_sum[0] / A)) * E
    blk_expert = blk_e.reshape(NBLK_PAD)[:NBLK]

    src = jnp.zeros((APAD,), jnp.int32).at[pos.reshape(A)].set(
        jnp.arange(A, dtype=jnp.int32) // 2)
    xs = jnp.take(flat, src, axis=0)

    M1 = jnp.dot(dw1_w.reshape(E, 27), jnp.asarray(_G)).reshape(E, 192, D)
    b1c = jnp.repeat(dw1_b, 64, axis=1)[:, :, None]
    w1r = pw1_w[:, :, :, 0, 0].transpose(0, 2, 1)[:, :, :, None]
    b1p = pw1_b[:, :, None]
    w2d = dw2_w[:, :, 0].transpose(0, 2, 3, 1).reshape(E, 9, 64)[..., None]
    b2d = dw2_b[:, :, None]
    w2p = pw2_w[:, :, :, 0, 0]
    b2p = pw2_b[:, :, None]
    w3d = dw3_w[:, :, 0].transpose(0, 2, 3, 1).reshape(E, 9, 128)[..., None]
    b3d = dw3_b[:, :, None]
    w3p = pw3_w[:, :, :, 0, 0]
    b3p = pw3_b[:, :, None]
    bhr = (bh + br)[:, :, None]
    beC = be[:, None]

    z = _run_experts(blk_expert, xs, M1, b1c, w1r, b1p, w2d, b2d, w2p, b2p,
                     w3d, b3d, w3p, b3p, Wh, Wr, bhr, We, beC)

    out = sc[:, 0:1] * z[pos[:, 0]] + sc[:, 1:2] * z[pos[:, 1]]
    feats = out.reshape(B, N, EMB).transpose(0, 2, 1).reshape(B, EMB, hp, wp)
    return feats, l_aux

# --- scband reference (transcript-rebuilt; emitter-appended) ---
"""Pipeline reference for scband-fast-mo-eencoder-29111288332646 (READ-ONLY COPY).

The authoritative reference and input builder live on the scoring server;
editing this copy changes nothing except your own understanding.
"""

import jax, jax.numpy as jnp
import numpy as np

B, C, H, W = 4, 3, 384, 384
P = 16
E = 8
TOP_K = 2
EMB = 256
D_MODEL = C * P * P  # 768


def setup_inputs(seed: int = 0) -> dict:
    key = jax.random.key(seed)
    ks = jax.random.split(key, 32)
    s = 0.1
    inp = {}
    inp['x'] = jax.random.normal(ks[0], (B, C, H, W), dtype=jnp.float32)
    # stacked per-expert params (leading dim E)
    inp['dw1_w'] = jax.random.normal(ks[1], (E, 3, 1, 3, 3), jnp.float32) * s
    inp['dw1_b'] = jnp.zeros((E, 3), jnp.float32)
    inp['pw1_w'] = jax.random.normal(ks[2], (E, 64, 3, 1, 1), jnp.float32) * s
    inp['pw1_b'] = jnp.zeros((E, 64), jnp.float32)
    inp['dw2_w'] = jax.random.normal(ks[3], (E, 64, 1, 3, 3), jnp.float32) * s
    inp['dw2_b'] = jnp.zeros((E, 64), jnp.float32)
    inp['pw2_w'] = jax.random.normal(ks[4], (E, 128, 64, 1, 1), jnp.float32) * s
    inp['pw2_b'] = jnp.zeros((E, 128), jnp.float32)
    inp['dw3_w'] = jax.random.normal(ks[5], (E, 128, 1, 3, 3), jnp.float32) * s
    inp['dw3_b'] = jnp.zeros((E, 128), jnp.float32)
    inp['pw3_w'] = jax.random.normal(ks[6], (E, EMB, 128, 1, 1), jnp.float32) * s
    inp['pw3_b'] = jnp.zeros((E, EMB), jnp.float32)
    inp['Wh'] = jax.random.normal(ks[7], (E, D_MODEL, EMB), jnp.float32) * 0.02
    inp['bh'] = jnp.zeros((E, D_MODEL), jnp.float32)
    inp['Wr'] = jax.random.normal(ks[8], (E, D_MODEL, D_MODEL), jnp.float32) * 0.02
    inp['br'] = jnp.zeros((E, D_MODEL), jnp.float32)
    # gate (NaiveGate linear inside GShardGate)
    inp['Wg'] = jax.random.normal(ks[9], (D_MODEL, E), jnp.float32) * 0.02
    inp['bg'] = jnp.zeros((E,), jnp.float32)
    # to_emb
    inp['We'] = jax.random.normal(ks[10], (EMB, D_MODEL), jnp.float32) * 0.02
    inp['be'] = jnp.zeros((EMB,), jnp.float32)
    return inp


def _dsconv(h, dw_w, dw_b, pw_w, pw_b, stride):
    h = jax.lax.conv_general_dilated(h, dw_w, (stride, stride), ((1, 1), (1, 1)),
                                     dimension_numbers=('NCHW', 'OIHW', 'NCHW'),
                                     feature_group_count=h.shape[1])
    h = jax.nn.relu(h + dw_b[None, :, None, None])
    h = jax.lax.conv_general_dilated(h, pw_w, (1, 1), ((0, 0), (0, 0)),
                                     dimension_numbers=('NCHW', 'OIHW', 'NCHW'))
    return jax.nn.relu(h + pw_b[None, :, None, None])


def _expert(xflat, dw1_w, dw1_b, pw1_w, pw1_b, dw2_w, dw2_b, pw2_w, pw2_b,
            dw3_w, dw3_b, pw3_w, pw3_b, Wh, bh, Wr, br):
    n = xflat.shape[0]
    h = xflat.reshape(n, C, P, P)
    h = _dsconv(h, dw1_w, dw1_b, pw1_w, pw1_b, 2)   # 16 -> 8
    h = _dsconv(h, dw2_w, dw2_b, pw2_w, pw2_b, 2)   # 8 -> 4
    h = _dsconv(h, dw3_w, dw3_b, pw3_w, pw3_b, 2)   # 4 -> 2
    feats = h.mean(axis=(2, 3))                      # AdaptiveAvgPool2d(1)
    out = feats @ Wh.T + bh
    res = xflat @ Wr.T + br
    return out + res


def reference(x, dw1_w, dw1_b, pw1_w, pw1_b, dw2_w, dw2_b, pw2_w, pw2_b,
              dw3_w, dw3_b, pw3_w, pw3_b, Wh, bh, Wr, br, Wg, bg, We, be):
    b, c, h_, w_ = x.shape
    hp, wp = h_ // P, w_ // P
    N = hp * wp
    # nn.Unfold(kernel_size=P, stride=P) then transpose(1,2): [B, N, C*P*P]
    patches = x.reshape(b, c, hp, P, wp, P).transpose(0, 2, 4, 1, 3, 5).reshape(b, N, c * P * P)
    flat = patches.reshape(b * N, c * P * P)
    T = flat.shape[0]
    # GShard-style top-2 gating
    logits = flat @ Wg + bg
    topv, topi = jax.lax.top_k(logits, TOP_K)
    score = jax.nn.softmax(topv, axis=-1)
    gates_dense = jnp.zeros((T, E), jnp.float32).at[jnp.arange(T)[:, None], topi].add(score)
    # GShard load-balancing aux loss
    S = jax.nn.softmax(logits, axis=-1)
    frac = jnp.bincount(topi.reshape(-1), length=E).astype(jnp.float32) / (T * TOP_K)
    prob = S.sum(axis=0) / (T * TOP_K)
    l_aux = (frac * prob).sum() * E
    # run all experts densely, combine with sparse gate weights
    expert_out = jax.vmap(_expert, in_axes=(None,) + (0,) * 16)(
        flat, dw1_w, dw1_b, pw1_w, pw1_b, dw2_w, dw2_b, pw2_w, pw2_b,
        dw3_w, dw3_b, pw3_w, pw3_b, Wh, bh, Wr, br)  # [E, T, D]
    moe_out = jnp.einsum('te,etd->td', gates_dense, expert_out)
    emb = moe_out @ We.T + be  # [T, EMB]
    feats = emb.reshape(b, N, EMB).transpose(0, 2, 1).reshape(b, EMB, hp, wp)
    return feats, l_aux

if __name__ == "__main__":
    import jax
    _d = setup_inputs()
    print(jax.jit(kernel)(*tuple(_d.values())))

</pallas_src>

<mosaic_0001>
module attributes {stable_mosaic.version = 14 : i64} {
  func.func @_patch_kernel(%arg0: i32, %arg1: memref<1x3x1x16x384xf32, #tpu.memory_space<vmem>>, %arg2: memref<24x768xf32, #tpu.memory_space<vmem>>) attributes {dimension_semantics = [#tpu.dimension_semantics<arbitrary>], iteration_bounds = array<i64: 96>, scalar_prefetch = 0 : i64, scratch_operands = 0 : i64, tpu.core_type = #tpu.core_type<tc>, window_params = [{transform_indices = @transform_0, window_bounds = array<i64: 1, 3, 1, 16, 384>}, {transform_indices = @transform_1, window_bounds = array<i64: 24, 768>}]} {
    %get3A = arith.constant 0 : index
    %get3A_0 = arith.constant 0 : index
    %get3A_1 = arith.constant 0 : index
    %get3A_2 = arith.constant 0 : index
    %get3A_3 = arith.constant 0 : index
    %get3A_4 = vector.load %arg1[%get3A, %get3A_0, %get3A_1, %get3A_2, %get3A_3] : memref<1x3x1x16x384xf32, #tpu.memory_space<vmem>>, vector<1x3x1x16x384xf32>
    %get3A_5 = vector.shape_cast %get3A_4 : vector<1x3x1x16x384xf32> to vector<3x16x384xf32>
    %reshape3A = vector.shape_cast %get3A_5 : vector<3x16x384xf32> to vector<3x16x24x16xf32>
    %transpose3A = tpu.transpose %reshape3A, [2, 0, 1, 3] : vector<3x16x24x16xf32> -> vector<24x3x16x16xf32>
    %reshape3A_6 = vector.shape_cast %transpose3A : vector<24x3x16x16xf32> to vector<24x768xf32>
    %swap3A = arith.constant 0 : index
    %swap3A_7 = arith.constant 0 : index
    %swap3A_8 = vector.load %arg2[%swap3A, %swap3A_7] : memref<24x768xf32, #tpu.memory_space<vmem>>, vector<24x768xf32>
    tpu.vector_store %arg2[%swap3A, %swap3A_7], %reshape3A_6 {strides = array<i32>} : memref<24x768xf32, #tpu.memory_space<vmem>>, vector<24x768xf32>,
    return
  }
  func.func @transform_0(%arg0: i32) -> (i32, i32, i32, i32, i32) {
    %jit3A = arith.constant 24 : i32
    %div3A = arith.divsi %arg0, %jit3A : i32
    %sign3A = arith.constant 0 : i32
    %sign3A_0 = arith.cmpi sgt, %arg0, %sign3A : i32
    %sign3A_1 = arith.extui %sign3A_0 : i1 to i32
    %sign3A_2 = arith.constant 0 : i32
    %sign3A_3 = arith.cmpi slt, %arg0, %sign3A_2 : i32
    %sign3A_4 = arith.extui %sign3A_3 : i1 to i32
    %sign3A_5 = arith.subi %sign3A_1, %sign3A_4 : i32
    %sign3A_6 = arith.constant 0 : i32
    %sign3A_7 = arith.cmpi sgt, %jit3A, %sign3A_6 : i32
    %sign3A_8 = arith.extui %sign3A_7 : i1 to i32
    %sign3A_9 = arith.constant 0 : i32
    %sign3A_10 = arith.cmpi slt, %jit3A, %sign3A_9 : i32
    %sign3A_11 = arith.extui %sign3A_10 : i1 to i32
    %sign3A_12 = arith.subi %sign3A_8, %sign3A_11 : i32
    %ne3A = arith.cmpi ne, %sign3A_5, %sign3A_12 : i32
    %rem3A = arith.remsi %arg0, %jit3A : i32
    %ne3A_13 = arith.constant 0 : i32
    %ne3A_14 = arith.cmpi ne, %rem3A, %ne3A_13 : i32
    %and3A = arith.andi %ne3A, %ne3A_14 : i1
    %sub3A = arith.constant 1 : i32
    %sub3A_15 = arith.subi %div3A, %sub3A : i32
    %select_n3A = arith.select %and3A, %sub3A_15, %div3A : i32
    %jit3A_16 = arith.constant 24 : i32
    %eq3A = arith.constant 0 : i32
    %eq3A_17 = arith.cmpi eq, %jit3A_16, %eq3A : i32
    %jit3A_18 = arith.constant 1 : i32
    %select_n3A_19 = arith.select %eq3A_17, %jit3A_18, %jit3A_16 : i32
    %rem3A_20 = arith.remsi %arg0, %select_n3A_19 : i32
    %ne3A_21 = arith.constant 0 : i32
    %ne3A_22 = arith.cmpi ne, %rem3A_20, %ne3A_21 : i32
    %lt3A = arith.constant 0 : i32
    %lt3A_23 = arith.cmpi slt, %rem3A_20, %lt3A : i32
    %lt3A_24 = arith.constant 0 : i32
    %lt3A_25 = arith.cmpi slt, %select_n3A_19, %lt3A_24 : i32
    %ne3A_26 = arith.xori %lt3A_23, %lt3A_25 : i1
    %and3A_27 = arith.andi %ne3A_26, %ne3A_22 : i1
    %add3A = arith.addi %rem3A_20, %select_n3A_19 : i32
    %select_n3A_28 = arith.select %and3A_27, %add3A, %rem3A_20 : i32
    %c0_i32 = arith.constant 0 : i32
    %c0_i32_29 = arith.constant 0 : i32
    %c0_i32_30 = arith.constant 0 : i32
    %c0_i32_31 = arith.constant 0 : i32
    return %select_n3A, %c0_i32, %select_n3A_28, %c0_i32_29, %c0_i32_30 : i32, i32, i32, i32, i32
  }
  func.func @transform_1(%arg0: i32) -> (i32, i32) {
    %c0_i32 = arith.constant 0 : i32
    %c0_i32_0 = arith.constant 0 : i32
    return %arg0, %c0_i32 : i32, i32
  }
}

module attributes {stable_mosaic.version = 14 : i64} {
  func.func @_gate_kernel(%arg0: memref<2304x768xf32, #tpu.memory_space<vmem>>, %arg1: memref<768x8xf32, #tpu.memory_space<vmem>>, %arg2: memref<1x8xf32, #tpu.memory_space<vmem>>, %arg3: memref<8x8xf32, #tpu.memory_space<vmem>>, %arg4: memref<128x128xf32, #tpu.memory_space<vmem>>, %arg5: memref<18x18xf32, #tpu.memory_space<vmem>>, %arg6: memref<2304x2xf32, #tpu.memory_space<vmem>>, %arg7: memref<2304x2xi32, #tpu.memory_space<vmem>>, %arg8: memref<1x8xf32, #tpu.memory_space<vmem>>, %arg9: memref<1x8xf32, #tpu.memory_space<vmem>>, %arg10: memref<32x1xi32, #tpu.memory_space<vmem>>) attributes {dimension_semantics = [], scalar_prefetch = 0 : i64, scratch_operands = 0 : i64, tpu.core_type = #tpu.core_type<tc>} {
    %get3A = arith.constant 0 : index
    %get3A_0 = arith.constant 0 : index
    %get3A_1 = vector.load %arg0[%get3A, %get3A_0] : memref<2304x768xf32, #tpu.memory_space<vmem>>, vector<2304x768xf32>
    %get3A_2 = arith.constant 0 : index
    %get3A_3 = arith.constant 0 : index
    %get3A_4 = vector.load %arg1[%get3A_2, %get3A_3] : memref<768x8xf32, #tpu.memory_space<vmem>>, vector<768x8xf32>
    %dot_general3A = arith.constant dense<0.000000e+00> : vector<2304x8xf32>
    %dot_general3A_5 = tpu.matmul %get3A_1, %get3A_4, %dot_general3A {dimension_numbers = #tpu.dot_dimension_numbers<[1], [0], [0], [1], [0, 0, 1, 1], [], []>, transpose_lhs_hint = false} : vector<2304x768xf32>, vector<768x8xf32>, vector<2304x8xf32> -> vector<2304x8xf32>
    %get3A_6 = arith.constant 0 : index
    %get3A_7 = arith.constant 0 : index
    %get3A_8 = vector.load %arg2[%get3A_6, %get3A_7] : memref<1x8xf32, #tpu.memory_space<vmem>>, vector<1x8xf32>
    %add3A = vector.broadcast %get3A_8 : vector<1x8xf32> to vector<2304x8xf32>
    %add3A_9 = arith.addf %dot_general3A_5, %add3A : vector<2304x8xf32>
    %iota3A = tpu.iota {dimensions = array<i32: 1>} : vector<2304x8xi32>
    %reduce_max3A = arith.constant dense<0xFF800000> : vector<2304xf32>
    %reduce_max3A_10 = vector.multi_reduction <maximumf>, %add3A_9, %reduce_max3A [1] : vector<2304x8xf32> to vector<2304xf32>
    %broadcast_in_dim3A = vector.shape_cast %reduce_max3A_10 : vector<2304xf32> to vector<2304x1xf32>
    %eq3A = vector.broadcast %broadcast_in_dim3A : vector<2304x1xf32> to vector<2304x8xf32>
    %eq3A_11 = arith.cmpf oeq, %add3A_9, %eq3A : vector<2304x8xf32>
    %jit3A = arith.constant 8 : i32
    %broadcast_in_dim3A_12 = vector.broadcast %jit3A : i32 to vector<2304x8xi32>
    %select_n3A = arith.select %eq3A_11, %iota3A, %broadcast_in_dim3A_12 : vector<2304x8xi1>, vector<2304x8xi32>
    %reduce_min3A = arith.constant dense<2147483647> : vector<2304xi32>
    %reduce_min3A_13 = vector.multi_reduction <minsi>, %select_n3A, %reduce_min3A [1] : vector<2304x8xi32> to vector<2304xi32>
    %broadcast_in_dim3A_14 = vector.shape_cast %reduce_min3A_13 : vector<2304xi32> to vector<2304x1xi32>
    %eq3A_15 = vector.broadcast %broadcast_in_dim3A_14 : vector<2304x1xi32> to vector<2304x8xi32>
    %eq3A_16 = arith.cmpi eq, %iota3A, %eq3A_15 : vector<2304x8xi32>
    %jit3A_17 = arith.constant -1.000000e+30 : f32
    %broadcast_in_dim3A_18 = vector.broadcast %jit3A_17 : f32 to vector<2304x8xf32>
    %select_n3A_19 = arith.select %eq3A_16, %broadcast_in_dim3A_18, %add3A_9 : vector<2304x8xi1>, vector<2304x8xf32>
    %reduce_max3A_20 = arith.constant dense<0xFF800000> : vector<2304xf32>
    %reduce_max3A_21 = vector.multi_reduction <maximumf>, %select_n3A_19, %reduce_max3A_20 [1] : vector<2304x8xf32> to vector<2304xf32>
    %broadcast_in_dim3A_22 = vector.shape_cast %reduce_max3A_21 : vector<2304xf32> to vector<2304x1xf32>
    %eq3A_23 = vector.broadcast %broadcast_in_dim3A_22 : vector<2304x1xf32> to vector<2304x8xf32>
    %eq3A_24 = arith.cmpf oeq, %select_n3A_19, %eq3A_23 : vector<2304x8xf32>
    %jit3A_25 = arith.constant 8 : i32
    %broadcast_in_dim3A_26 = vector.broadcast %jit3A_25 : i32 to vector<2304x8xi32>
    %select_n3A_27 = arith.select %eq3A_24, %iota3A, %broadcast_in_dim3A_26 : vector<2304x8xi1>, vector<2304x8xi32>
    %reduce_min3A_28 = arith.constant dense<2147483647> : vector<2304xi32>
    %reduce_min3A_29 = vector.multi_reduction <minsi>, %select_n3A_27, %reduce_min3A_28 [1] : vector<2304x8xi32> to vector<2304xi32>
    %broadcast_in_dim3A_30 = vector.shape_cast %reduce_min3A_29 : vector<2304xi32> to vector<2304x1xi32>
    %eq3A_31 = vector.broadcast %broadcast_in_dim3A_30 : vector<2304x1xi32> to vector<2304x8xi32>
    %eq3A_32 = arith.cmpi eq, %iota3A, %eq3A_31 : vector<2304x8xi32>
    %sub3A = arith.subf %broadcast_in_dim3A_22, %broadcast_in_dim3A : vector<2304x1xf32>
    %exp3A = math.exp %sub3A : vector<2304x1xf32>
    %add3A_33 = arith.constant 1.000000e+00 : f32
    %add3A_34 = vector.broadcast %add3A_33 : f32 to vector<2304x1xf32>
    %add3A_35 = arith.addf %add3A_34, %exp3A : vector<2304x1xf32>
    %div3A = arith.constant 1.000000e+00 : f32
    %div3A_36 = vector.broadcast %div3A : f32 to vector<2304x1xf32>
    %div3A_37 = arith.divf %div3A_36, %add3A_35 : vector<2304x1xf32>
    %sub3A_38 = arith.constant 1.000000e+00 : f32
    %sub3A_39 = vector.broadcast %sub3A_38 : f32 to vector<2304x1xf32>
    %sub3A_40 = arith.subf %sub3A_39, %div3A_37 : vector<2304x1xf32>
    %concatenate3A = tpu.concatenate %div3A_37, %sub3A_40 in 1 : vector<2304x1xf32>, vector<2304x1xf32> -> vector<2304x2xf32>
    %swap3A = arith.constant 0 : index
    %swap3A_41 = arith.constant 0 : index
    %swap3A_42 = vector.load %arg6[%swap3A, %swap3A_41] : memref<2304x2xf32, #tpu.memory_space<vmem>>, vector<2304x2xf32>
    tpu.vector_store %arg6[%swap3A, %swap3A_41], %concatenate3A {strides = array<i32>} : memref<2304x2xf32, #tpu.memory_space<vmem>>, vector<2304x2xf32>,
    %sub3A_43 = vector.broadcast %broadcast_in_dim3A : vector<2304x1xf32> to vector<2304x8xf32>
    %sub3A_44 = arith.subf %add3A_9, %sub3A_43 : vector<2304x8xf32>
    %exp3A_45 = math.exp %sub3A_44 : vector<2304x8xf32>
    %reduce_sum3A = arith.constant dense<0.000000e+00> : vector<2304xf32>
    %reduce_sum3A_46 = vector.multi_reduction <add>, %exp3A_45, %reduce_sum3A [1] : vector<2304x8xf32> to vector<2304xf32>
    %broadcast_in_dim3A_47 = vector.shape_cast %reduce_sum3A_46 : vector<2304xf32> to vector<2304x1xf32>
    %div3A_48 = vector.broadcast %broadcast_in_dim3A_47 : vector<2304x1xf32> to vector<2304x8xf32>
    %div3A_49 = arith.divf %exp3A_45, %div3A_48 : vector<2304x8xf32>
    %reduce_sum3A_50 = arith.constant dense<0.000000e+00> : vector<8xf32>
    %reduce_sum3A_51 = vector.multi_reduction <add>, %div3A_49, %reduce_sum3A_50 [0] : vector<2304x8xf32> to vector<8xf32>
    %broadcast_in_dim3A_52 = vector.shape_cast %reduce_sum3A_51 : vector<8xf32> to vector<1x8xf32>
    %swap3A_53 = arith.constant 0 : index
    %swap3A_54 = arith.constant 0 : index
    %swap3A_55 = vector.load %arg9[%swap3A_53, %swap3A_54] : memref<1x8xf32, #tpu.memory_space<vmem>>, vector<1x8xf32>
    tpu.vector_store %arg9[%swap3A_53, %swap3A_54], %broadcast_in_dim3A_52 {strides = array<i32>} : memref<1x8xf32, #tpu.memory_space<vmem>>, vector<1x8xf32>,
    %or3A = arith.ori %eq3A_16, %eq3A_32 : vector<2304x8xi1>
    %convert_element_type3A = arith.extui %or3A : vector<2304x8xi1> to vector<2304x8xi32>
    %convert_element_type3A_56 = arith.sitofp %convert_element_type3A : vector<2304x8xi32> to vector<2304x8xf32>
    %get3A_57 = arith.constant 0 : index
    %get3A_58 = arith.constant 0 : index
    %get3A_59 = vector.load %arg4[%get3A_57, %get3A_58] : memref<128x128xf32, #tpu.memory_space<vmem>>, vector<128x128xf32>
    %reshape3A = vector.shape_cast %convert_element_type3A_56 : vector<2304x8xf32> to vector<18x128x8xf32>
    %slice3A = vector.extract_strided_slice %reshape3A {offsets = [0, 0, 0], sizes = [1, 128, 8], strides = [1, 1, 1]} : vector<18x128x8xf32> to vector<1x128x8xf32>
    %squeeze3A = vector.shape_cast %slice3A : vector<1x128x8xf32> to vector<128x8xf32>
    %dot_general3A_60 = arith.constant dense<0.000000e+00> : vector<128x8xf32>
    %dot_general3A_61 = tpu.matmul %get3A_59, %squeeze3A, %dot_general3A_60 {dimension_numbers = #tpu.dot_dimension_numbers<[1], [0], [0], [1], [0, 0, 1, 1], [], []>, transpose_lhs_hint = false} : vector<128x128xf32>, vector<128x8xf32>, vector<128x8xf32> -> vector<128x8xf32>
    %slice3A_62 = vector.extract_strided_slice %reshape3A {offsets = [1, 0, 0], sizes = [1, 128, 8], strides = [1, 1, 1]} : vector<18x128x8xf32> to vector<1x128x8xf32>
    %squeeze3A_63 = vector.shape_cast %slice3A_62 : vector<1x128x8xf32> to vector<128x8xf32>
    %dot_general3A_64 = arith.constant dense<0.000000e+00> : vector<128x8xf32>
    %dot_general3A_65 = tpu.matmul %get3A_59, %squeeze3A_63, %dot_general3A_64 {dimension_numbers = #tpu.dot_dimension_numbers<[1], [0], [0], [1], [0, 0, 1, 1], [], []>, transpose_lhs_hint = false} : vector<128x128xf32>, vector<128x8xf32>, vector<128x8xf32> -> vector<128x8xf32>
    %slice3A_66 = vector.extract_strided_slice %reshape3A {offsets = [2, 0, 0], sizes = [1, 128, 8], strides = [1, 1, 1]} : vector<18x128x8xf32> to vector<1x128x8xf32>
    %squeeze3A_67 = vector.shape_cast %slice3A_66 : vector<1x128x8xf32> to vector<128x8xf32>
    %dot_general3A_68 = arith.constant dense<0.000000e+00> : vector<128x8xf32>
    %dot_general3A_69 = tpu.matmul %get3A_59, %squeeze3A_67, %dot_general3A_68 {dimension_numbers = #tpu.dot_dimension_numbers<[1], [0], [0], [1], [0, 0, 1, 1], [], []>, transpose_lhs_hint = false} : vector<128x128xf32>, vector<128x8xf32>, vector<128x8xf32> -> vector<128x8xf32>
    %slice3A_70 = vector.extract_strided_slice %reshape3A {offsets = [3, 0, 0], sizes = [1, 128, 8], strides = [1, 1, 1]} : vector<18x128x8xf32> to vector<1x128x8xf32>
    %squeeze3A_71 = vector.shape_cast %slice3A_70 : vector<1x128x8xf32> to vector<128x8xf32>
    %dot_general3A_72 = arith.constant dense<0.000000e+00> : vector<128x8xf32>
    %dot_general3A_73 = tpu.matmul %get3A_59, %squeeze3A_71, %dot_general3A_72 {dimension_numbers = #tpu.dot_dimension_numbers<[1], [0], [0], [1], [0, 0, 1, 1], [], []>, transpose_lhs_hint = false} : vector<128x128xf32>, vector<128x8xf32>, vector<128x8xf32> -> vector<128x8xf32>
    %slice3A_74 = vector.extract_strided_slice %reshape3A {offsets = [4, 0, 0], sizes = [1, 128, 8], strides = [1, 1, 1]} : vector<18x128x8xf32> to vector<1x128x8xf32>
    %squeeze3A_75 = vector.shape_cast %slice3A_74 : vector<1x128x8xf32> to vector<128x8xf32>
    %dot_general3A_76 = arith.constant dense<0.000000e+00> : vector<128x8xf32>
    %dot_general3A_77 = tpu.matmul %get3A_59, %squeeze3A_75, %dot_general3A_76 {dimension_numbers = #tpu.dot_dimension_numbers<[1], [0], [0], [1], [0, 0, 1, 1], [], []>, transpose_lhs_hint = false} : vector<128x128xf32>, vector<128x8xf32>, vector<128x8xf32> -> vector<128x8xf32>
    %slice3A_78 = vector.extract_strided_slice %reshape3A {offsets = [5, 0, 0], sizes = [1, 128, 8], strides = [1, 1, 1]} : vector<18x128x8xf32> to vector<1x128x8xf32>
    %squeeze3A_79 = vector.shape_cast %slice3A_78 : vector<1x128x8xf32> to vector<128x8xf32>
    %dot_general3A_80 = arith.constant dense<0.000000e+00> : vector<128x8xf32>
    %dot_general3A_81 = tpu.matmul %get3A_59, %squeeze3A_79, %dot_general3A_80 {dimension_numbers = #tpu.dot_dimension_numbers<[1], [0], [0], [1], [0, 0, 1, 1], [], []>, transpose_lhs_hint = false} : vector<128x128xf32>, vector<128x8xf32>, vector<128x8xf32> -> vector<128x8xf32>
    %slice3A_82 = vector.extract_strided_slice %reshape3A {offsets = [6, 0, 0], sizes = [1, 128, 8], strides = [1, 1, 1]} : vector<18x128x8xf32> to vector<1x128x8xf32>
    %squeeze3A_83 = vector.shape_cast %slice3A_82 : vector<1x128x8xf32> to vector<128x8xf32>
    %dot_general3A_84 = arith.constant dense<0.000000e+00> : vector<128x8xf32>
    %dot_general3A_85 = tpu.matmul %get3A_59, %squeeze3A_83, %dot_general3A_84 {dimension_numbers = #tpu.dot_dimension_numbers<[1], [0], [0], [1], [0, 0, 1, 1], [], []>, transpose_lhs_hint = false} : vector<128x128xf32>, vector<128x8xf32>, vector<128x8xf32> -> vector<128x8xf32>
    %slice3A_86 = vector.extract_strided_slice %reshape3A {offsets = [7, 0, 0], sizes = [1, 128, 8], strides = [1, 1, 1]} : vector<18x128x8xf32> to vector<1x128x8xf32>
    %squeeze3A_87 = vector.shape_cast %slice3A_86 : vector<1x128x8xf32> to vector<128x8xf32>
    %dot_general3A_88 = arith.constant dense<0.000000e+00> : vector<128x8xf32>
    %dot_general3A_89 = tpu.matmul %get3A_59, %squeeze3A_87, %dot_general3A_88 {dimension_numbers = #tpu.dot_dimension_numbers<[1], [0], [0], [1], [0, 0, 1, 1], [], []>, transpose_lhs_hint = false} : vector<128x128xf32>, vector<128x8xf32>, vector<128x8xf32> -> vector<128x8xf32>
    %slice3A_90 = vector.extract_strided_slice %reshape3A {offsets = [8, 0, 0], sizes = [1, 128, 8], strides = [1, 1, 1]} : vector<18x128x8xf32> to vector<1x128x8xf32>
    %squeeze3A_91 = vector.shape_cast %slice3A_90 : vector<1x128x8xf32> to vector<128x8xf32>
    %dot_general3A_92 = arith.constant dense<0.000000e+00> : vector<128x8xf32>
    %dot_general3A_93 = tpu.matmul %get3A_59, %squeeze3A_91, %dot_general3A_92 {dimension_numbers = #tpu.dot_dimension_numbers<[1], [0], [0], [1], [0, 0, 1, 1], [], []>, transpose_lhs_hint = false} : vector<128x128xf32>, vector<128x8xf32>, vector<128x8xf32> -> vector<128x8xf32>
    %slice3A_94 = vector.extract_strided_slice %reshape3A {offsets = [9, 0, 0], sizes = [1, 128, 8], strides = [1, 1, 1]} : vector<18x128x8xf32> to vector<1x128x8xf32>
    %squeeze3A_95 = vector.shape_cast %slice3A_94 : vector<1x128x8xf32> to vector<128x8xf32>
    %dot_general3A_96 = arith.constant dense<0.000000e+00> : vector<128x8xf32>
    %dot_general3A_97 = tpu.matmul %get3A_59, %squeeze3A_95, %dot_general3A_96 {dimension_numbers = #tpu.dot_dimension_numbers<[1], [0], [0], [1], [0, 0, 1, 1], [], []>, transpose_lhs_hint = false} : vector<128x128xf32>, vector<128x8xf32>, vector<128x8xf32> -> vector<128x8xf32>
    %slice3A_98 = vector.extract_strided_slice %reshape3A {offsets = [10, 0, 0], sizes = [1, 128, 8], strides = [1, 1, 1]} : vector<18x128x8xf32> to vector<1x128x8xf32>
    %squeeze3A_99 = vector.shape_cast %slice3A_98 : vector<1x128x8xf32> to vector<128x8xf32>
    %dot_general3A_100 = arith.constant dense<0.000000e+00> : vector<128x8xf32>
    %dot_general3A_101 = tpu.matmul %get3A_59, %squeeze3A_99, %dot_general3A_100 {dimension_numbers = #tpu.dot_dimension_numbers<[1], [0], [0], [1], [0, 0, 1, 1], [], []>, transpose_lhs_hint = false} : vector<128x128xf32>, vector<128x8xf32>, vector<128x8xf32> -> vector<128x8xf32>
    %slice3A_102 = vector.extract_strided_slice %reshape3A {offsets = [11, 0, 0], sizes = [1, 128, 8], strides = [1, 1, 1]} : vector<18x128x8xf32> to vector<1x128x8xf32>
    %squeeze3A_103 = vector.shape_cast %slice3A_102 : vector<1x128x8xf32> to vector<128x8xf32>
    %dot_general3A_104 = arith.constant dense<0.000000e+00> : vector<128x8xf32>
    %dot_general3A_105 = tpu.matmul %get3A_59, %squeeze3A_103, %dot_general3A_104 {dimension_numbers = #tpu.dot_dimension_numbers<[1], [0], [0], [1], [0, 0, 1, 1], [], []>, transpose_lhs_hint = false} : vector<128x128xf32>, vector<128x8xf32>, vector<128x8xf32> -> vector<128x8xf32>
    %slice3A_106 = vector.extract_strided_slice %reshape3A {offsets = [12, 0, 0], sizes = [1, 128, 8], strides = [1, 1, 1]} : vector<18x128x8xf32> to vector<1x128x8xf32>
    %squeeze3A_107 = vector.shape_cast %slice3A_106 : vector<1x128x8xf32> to vector<128x8xf32>
    %dot_general3A_108 = arith.constant dense<0.000000e+00> : vector<128x8xf32>
    %dot_general3A_109 = tpu.matmul %get3A_59, %squeeze3A_107, %dot_general3A_108 {dimension_numbers = #tpu.dot_dimension_numbers<[1], [0], [0], [1], [0, 0, 1, 1], [], []>, transpose_lhs_hint = false} : vector<128x128xf32>, vector<128x8xf32>, vector<128x8xf32> -> vector<128x8xf32>
    %slice3A_110 = vector.extract_strided_slice %reshape3A {offsets = [13, 0, 0], sizes = [1, 128, 8], strides = [1, 1, 1]} : vector<18x128x8xf32> to vector<1x128x8xf32>
    %squeeze3A_111 = vector.shape_cast %slice3A_110 : vector<1x128x8xf32> to vector<128x8xf32>
    %dot_general3A_112 = arith.constant dense<0.000000e+00> : vector<128x8xf32>
    %dot_general3A_113 = tpu.matmul %get3A_59, %squeeze3A_111, %dot_general3A_112 {dimension_numbers = #tpu.dot_dimension_numbers<[1], [0], [0], [1], [0, 0, 1, 1], [], []>, transpose_lhs_hint = false} : vector<128x128xf32>, vector<128x8xf32>, vector<128x8xf32> -> vector<128x8xf32>
    %slice3A_114 = vector.extract_strided_slice %reshape3A {offsets = [14, 0, 0], sizes = [1, 128, 8], strides = [1, 1, 1]} : vector<18x128x8xf32> to vector<1x128x8xf32>
    %squeeze3A_115 = vector.shape_cast %slice3A_114 : vector<1x128x8xf32> to vector<128x8xf32>
    %dot_general3A_116 = arith.constant dense<0.000000e+00> : vector<128x8xf32>
    %dot_general3A_117 = tpu.matmul %get3A_59, %squeeze3A_115, %dot_general3A_116 {dimension_numbers = #tpu.dot_dimension_numbers<[1], [0], [0], [1], [0, 0, 1, 1], [], []>, transpose_lhs_hint = false} : vector<128x128xf32>, vector<128x8xf32>, vector<128x8xf32> -> vector<128x8xf32>
    %slice3A_118 = vector.extract_strided_slice %reshape3A {offsets = [15, 0, 0], sizes = [1, 128, 8], strides = [1, 1, 1]} : vector<18x128x8xf32> to vector<1x128x8xf32>
    %squeeze3A_119 = vector.shape_cast %slice3A_118 : vector<1x128x8xf32> to vector<128x8xf32>
    %dot_general3A_120 = arith.constant dense<0.000000e+00> : vector<128x8xf32>
    %dot_general3A_121 = tpu.matmul %get3A_59, %squeeze3A_119, %dot_general3A_120 {dimension_numbers = #tpu.dot_dimension_numbers<[1], [0], [0], [1], [0, 0, 1, 1], [], []>, transpose_lhs_hint = false} : vector<128x128xf32>, vector<128x8xf32>, vector<128x8xf32> -> vector<128x8xf32>
    %slice3A_122 = vector.extract_strided_slice %reshape3A {offsets = [16, 0, 0], sizes = [1, 128, 8], strides = [1, 1, 1]} : vector<18x128x8xf32> to vector<1x128x8xf32>
    %squeeze3A_123 = vector.shape_cast %slice3A_122 : vector<1x128x8xf32> to vector<128x8xf32>
    %dot_general3A_124 = arith.constant dense<0.000000e+00> : vector<128x8xf32>
    %dot_general3A_125 = tpu.matmul %get3A_59, %squeeze3A_123, %dot_general3A_124 {dimension_numbers = #tpu.dot_dimension_numbers<[1], [0], [0], [1], [0, 0, 1, 1], [], []>, transpose_lhs_hint = false} : vector<128x128xf32>, vector<128x8xf32>, vector<128x8xf32> -> vector<128x8xf32>
    %slice3A_126 = vector.extract_strided_slice %reshape3A {offsets = [17, 0, 0], sizes = [1, 128, 8], strides = [1, 1, 1]} : vector<18x128x8xf32> to vector<1x128x8xf32>
    %squeeze3A_127 = vector.shape_cast %slice3A_126 : vector<1x128x8xf32> to vector<128x8xf32>
    %dot_general3A_128 = arith.constant dense<0.000000e+00> : vector<128x8xf32>
    %dot_general3A_129 = tpu.matmul %get3A_59, %squeeze3A_127, %dot_general3A_128 {dimension_numbers = #tpu.dot_dimension_numbers<[1], [0], [0], [1], [0, 0, 1, 1], [], []>, transpose_lhs_hint = false} : vector<128x128xf32>, vector<128x8xf32>, vector<128x8xf32> -> vector<128x8xf32>
    %stack3A = vector.shape_cast %dot_general3A_61 : vector<128x8xf32> to vector<1x128x8xf32>
    %stack3A_130 = vector.shape_cast %dot_general3A_65 : vector<128x8xf32> to vector<1x128x8xf32>
    %stack3A_131 = vector.shape_cast %dot_general3A_69 : vector<128x8xf32> to vector<1x128x8xf32>
    %stack3A_132 = vector.shape_cast %dot_general3A_73 : vector<128x8xf32> to vector<1x128x8xf32>
    %stack3A_133 = vector.shape_cast %dot_general3A_77 : vector<128x8xf32> to vector<1x128x8xf32>
    %stack3A_134 = vector.shape_cast %dot_general3A_81 : vector<128x8xf32> to vector<1x128x8xf32>
    %stack3A_135 = vector.shape_cast %dot_general3A_85 : vector<128x8xf32> to vector<1x128x8xf32>
    %stack3A_136 = vector.shape_cast %dot_general3A_89 : vector<128x8xf32> to vector<1x128x8xf32>
    %stack3A_137 = vector.shape_cast %dot_general3A_93 : vector<128x8xf32> to vector<1x128x8xf32>
    %stack3A_138 = vector.shape_cast %dot_general3A_97 : vector<128x8xf32> to vector<1x128x8xf32>
    %stack3A_139 = vector.shape_cast %dot_general3A_101 : vector<128x8xf32> to vector<1x128x8xf32>
    %stack3A_140 = vector.shape_cast %dot_general3A_105 : vector<128x8xf32> to vector<1x128x8xf32>
    %stack3A_141 = vector.shape_cast %dot_general3A_109 : vector<128x8xf32> to vector<1x128x8xf32>
    %stack3A_142 = vector.shape_cast %dot_general3A_113 : vector<128x8xf32> to vector<1x128x8xf32>
    %stack3A_143 = vector.shape_cast %dot_general3A_117 : vector<128x8xf32> to vector<1x128x8xf32>
    %stack3A_144 = vector.shape_cast %dot_general3A_121 : vector<128x8xf32> to vector<1x128x8xf32>
    %stack3A_145 = vector.shape_cast %dot_general3A_125 : vector<128x8xf32> to vector<1x128x8xf32>
    %stack3A_146 = vector.shape_cast %dot_general3A_129 : vector<128x8xf32> to vector<1x128x8xf32>
    %stack3A_147 = tpu.concatenate %stack3A, %stack3A_130, %stack3A_131, %stack3A_132, %stack3A_133, %stack3A_134, %stack3A_135, %stack3A_136, %stack3A_137, %stack3A_138, %stack3A_139, %stack3A_140, %stack3A_141, %stack3A_142, %stack3A_143, %stack3A_144, %stack3A_145, %stack3A_146 in 0 : vector<1x128x8xf32>, vector<1x128x8xf32>, vector<1x128x8xf32>, vector<1x128x8xf32>, vector<1x128x8xf32>, vector<1x128x8xf32>, vector<1x128x8xf32>, vector<1x128x8xf32>, vector<1x128x8xf32>, vector<1x128x8xf32>, vector<1x128x8xf32>, vector<1x128x8xf32>, vector<1x128x8xf32>, vector<1x128x8xf32>, vector<1x128x8xf32>, vector<1x128x8xf32>, vector<1x128x8xf32>, vector<1x128x8xf32> -> vector<18x128x8xf32>
    %reduce_sum3A_148 = arith.constant dense<0.000000e+00> : vector<18x8xf32>
    %reduce_sum3A_149 = vector.multi_reduction <add>, %reshape3A, %reduce_sum3A_148 [1] : vector<18x128x8xf32> to vector<18x8xf32>
    %get3A_150 = arith.constant 0 : index
    %get3A_151 = arith.constant 0 : index
    %get3A_152 = vector.load %arg5[%get3A_150, %get3A_151] : memref<18x18xf32, #tpu.memory_space<vmem>>, vector<18x18xf32>
    %dot_general3A_153 = arith.constant dense<0.000000e+00> : vector<18x8xf32>
    %dot_general3A_154 = tpu.matmul %get3A_152, %reduce_sum3A_149, %dot_general3A_153 {dimension_numbers = #tpu.dot_dimension_numbers<[1], [0], [0], [1], [0, 0, 1, 1], [], []>, transpose_lhs_hint = false} : vector<18x18xf32>, vector<18x8xf32>, vector<18x8xf32> -> vector<18x8xf32>
    %broadcast_in_dim3A_155 = vector.shape_cast %dot_general3A_154 : vector<18x8xf32> to vector<18x1x8xf32>
    %add3A_156 = vector.broadcast %broadcast_in_dim3A_155 : vector<18x1x8xf32> to vector<18x128x8xf32>
    %add3A_157 = arith.addf %stack3A_147, %add3A_156 : vector<18x128x8xf32>
    %reshape3A_158 = vector.shape_cast %add3A_157 : vector<18x128x8xf32> to vector<2304x8xf32>
    %reduce_sum3A_159 = arith.constant dense<0.000000e+00> : vector<8xf32>
    %reduce_sum3A_160 = vector.multi_reduction <add>, %convert_element_type3A_56, %reduce_sum3A_159 [0] : vector<2304x8xf32> to vector<8xf32>
    %broadcast_in_dim3A_161 = vector.shape_cast %reduce_sum3A_160 : vector<8xf32> to vector<1x8xf32>
    %swap3A_162 = arith.constant 0 : index
    %swap3A_163 = arith.constant 0 : index
    %swap3A_164 = vector.load %arg8[%swap3A_162, %swap3A_163] : memref<1x8xf32, #tpu.memory_space<vmem>>, vector<1x8xf32>
    tpu.vector_store %arg8[%swap3A_162, %swap3A_163], %broadcast_in_dim3A_161 {strides = array<i32>} : memref<1x8xf32, #tpu.memory_space<vmem>>, vector<1x8xf32>,
    %sub3A_165 = arith.subf %reshape3A_158, %convert_element_type3A_56 : vector<2304x8xf32>
    %add3A_166 = arith.constant 2.550000e+02 : f32
    %add3A_167 = vector.broadcast %add3A_166 : f32 to vector<1x8xf32>
    %add3A_168 = arith.addf %broadcast_in_dim3A_161, %add3A_167 : vector<1x8xf32>
    %mul3A = arith.constant 3.906250e-03 : f32
    %mul3A_169 = vector.broadcast %mul3A : f32 to vector<1x8xf32>
    %mul3A_170 = arith.mulf %add3A_168, %mul3A_169 : vector<1x8xf32>
    %floor3A = math.floor %mul3A_170 : vector<1x8xf32>
    %get3A_171 = arith.constant 0 : index
    %get3A_172 = arith.constant 0 : index
    %get3A_173 = vector.load %arg3[%get3A_171, %get3A_172] : memref<8x8xf32, #tpu.memory_space<vmem>>, vector<8x8xf32>
    %dot_general3A_174 = arith.constant dense<0.000000e+00> : vector<1x8xf32>
    %dot_general3A_175 = tpu.matmul %floor3A, %get3A_173, %dot_general3A_174 {dimension_numbers = #tpu.dot_dimension_numbers<[1], [0], [0], [1], [0, 0, 1, 1], [], []>, transpose_lhs_hint = false} : vector<1x8xf32>, vector<8x8xf32>, vector<1x8xf32> -> vector<1x8xf32>
    %sub3A_176 = arith.subf %dot_general3A_175, %floor3A : vector<1x8xf32>
    %mul3A_177 = arith.constant 2.560000e+02 : f32
    %mul3A_178 = vector.broadcast %mul3A_177 : f32 to vector<1x8xf32>
    %mul3A_179 = arith.mulf %sub3A_176, %mul3A_178 : vector<1x8xf32>
    %add3A_180 = vector.broadcast %mul3A_179 : vector<1x8xf32> to vector<2304x8xf32>
    %add3A_181 = arith.addf %add3A_180, %sub3A_165 : vector<2304x8xf32>
    %jit3A_182 = arith.constant 0.000000e+00 : f32
    %broadcast_in_dim3A_183 = vector.broadcast %jit3A_182 : f32 to vector<2304x8xf32>
    %select_n3A_184 = arith.select %eq3A_16, %add3A_181, %broadcast_in_dim3A_183 : vector<2304x8xi1>, vector<2304x8xf32>
    %reduce_sum3A_185 = arith.constant dense<0.000000e+00> : vector<2304xf32>
    %reduce_sum3A_186 = vector.multi_reduction <add>, %select_n3A_184, %reduce_sum3A_185 [1] : vector<2304x8xf32> to vector<2304xf32>
    %broadcast_in_dim3A_187 = vector.shape_cast %reduce_sum3A_186 : vector<2304xf32> to vector<2304x1xf32>
    %jit3A_188 = arith.constant 0.000000e+00 : f32
    %broadcast_in_dim3A_189 = vector.broadcast %jit3A_188 : f32 to vector<2304x8xf32>
    %select_n3A_190 = arith.select %eq3A_32, %add3A_181, %broadcast_in_dim3A_189 : vector<2304x8xi1>, vector<2304x8xf32>
    %reduce_sum3A_191 = arith.constant dense<0.000000e+00> : vector<2304xf32>
    %reduce_sum3A_192 = vector.multi_reduction <add>, %select_n3A_190, %reduce_sum3A_191 [1] : vector<2304x8xf32> to vector<2304xf32>
    %broadcast_in_dim3A_193 = vector.shape_cast %reduce_sum3A_192 : vector<2304xf32> to vector<2304x1xf32>
    %concatenate3A_194 = tpu.concatenate %broadcast_in_dim3A_187, %broadcast_in_dim3A_193 in 1 : vector<2304x1xf32>, vector<2304x1xf32> -> vector<2304x2xf32>
    %convert_element_type3A_195 = arith.fptosi %concatenate3A_194 : vector<2304x2xf32> to vector<2304x2xi32>
    %swap3A_196 = arith.constant 0 : index
    %swap3A_197 = arith.constant 0 : index
    %swap3A_198 = vector.load %arg7[%swap3A_196, %swap3A_197] : memref<2304x2xi32, #tpu.memory_space<vmem>>, vector<2304x2xi32>
    tpu.vector_store %arg7[%swap3A_196, %swap3A_197], %convert_element_type3A_195 {strides = array<i32>} : memref<2304x2xi32, #tpu.memory_space<vmem>>, vector<2304x2xi32>,
    %iota3A_199 = tpu.iota {dimensions = array<i32: 0>} : vector<32x8xi32>
    %broadcast_in_dim3A_200 = vector.shape_cast %dot_general3A_175 : vector<1x8xf32> to vector<1x8xf32>
    %broadcast_in_dim3A_201 = vector.broadcast %broadcast_in_dim3A_200 : vector<1x8xf32> to vector<32x8xf32>
    %convert_element_type3A_202 = arith.fptosi %broadcast_in_dim3A_201 : vector<32x8xf32> to vector<32x8xi32>
    %ge3A = arith.cmpi sge, %iota3A_199, %convert_element_type3A_202 : vector<32x8xi32>
    %convert_element_type3A_203 = arith.extui %ge3A : vector<32x8xi1> to vector<32x8xi32>
    %reduce_sum3A_204 = arith.constant dense<0> : vector<32xi32>
    %reduce_sum3A_205 = vector.multi_reduction <add>, %convert_element_type3A_203, %reduce_sum3A_204 [1] : vector<32x8xi32> to vector<32xi32>
    %broadcast_in_dim3A_206 = vector.shape_cast %reduce_sum3A_205 : vector<32xi32> to vector<32x1xi32>
    %min3A = arith.constant 7 : i32
    %min3A_207 = vector.broadcast %min3A : i32 to vector<32x1xi32>
    %min3A_208 = arith.minsi %broadcast_in_dim3A_206, %min3A_207 : vector<32x1xi32>
    %swap3A_209 = arith.constant 0 : index
    %swap3A_210 = arith.constant 0 : index
    %swap3A_211 = vector.load %arg10[%swap3A_209, %swap3A_210] : memref<32x1xi32, #tpu.memory_space<vmem>>, vector<32x1xi32>
    tpu.vector_store %arg10[%swap3A_209, %swap3A_210], %min3A_208 {strides = array<i32>} : memref<32x1xi32, #tpu.memory_space<vmem>>, vector<32x1xi32>,
    return
  }
}

module attributes {stable_mosaic.version = 14 : i64} {
  func.func @_expert_kernel(%arg0: i32, %arg1: memref<25xi32, #tpu.memory_space<smem>>, %arg2: memref<256x768xf32, #tpu.memory_space<vmem>>, %arg3: memref<1x192x768xf32, #tpu.memory_space<vmem>>, %arg4: memref<1x192x1xf32, #tpu.memory_space<vmem>>, %arg5: memref<1x3x64x1xf32, #tpu.memory_space<vmem>>, %arg6: memref<1x64x1xf32, #tpu.memory_space<vmem>>, %arg7: memref<1x9x64x1xf32, #tpu.memory_space<vmem>>, %arg8: memref<1x64x1xf32, #tpu.memory_space<vmem>>, %arg9: memref<1x128x64xf32, #tpu.memory_space<vmem>>, %arg10: memref<1x128x1xf32, #tpu.memory_space<vmem>>, %arg11: memref<1x9x128x1xf32, #tpu.memory_space<vmem>>, %arg12: memref<1x128x1xf32, #tpu.memory_space<vmem>>, %arg13: memref<1x256x128xf32, #tpu.memory_space<vmem>>, %arg14: memref<1x256x1xf32, #tpu.memory_space<vmem>>, %arg15: memref<1x768x256xf32, #tpu.memory_space<vmem>>, %arg16: memref<1x768x768xf32, #tpu.memory_space<vmem>>, %arg17: memref<1x768x1xf32, #tpu.memory_space<vmem>>, %arg18: memref<256x768xf32, #tpu.memory_space<vmem>>, %arg19: memref<256x1xf32, #tpu.memory_space<vmem>>, %arg20: memref<256x256xf32, #tpu.memory_space<vmem>>) attributes {dimension_semantics = [#tpu.dimension_semantics<arbitrary>], iteration_bounds = array<i64: 25>, scalar_prefetch = 1 : i64, scratch_operands = 0 : i64, tpu.core_type = #tpu.core_type<tc>, window_params = [{transform_indices = @transform_0, window_bounds = array<i64: 256, 768>}, {transform_indices = @transform_1, window_bounds = array<i64: 1, 192, 768>}, {transform_indices = @transform_2, window_bounds = array<i64: 1, 192, 1>}, {transform_indices = @transform_3, window_bounds = array<i64: 1, 3, 64, 1>}, {transform_indices = @transform_4, window_bounds = array<i64: 1, 64, 1>}, {transform_indices = @transform_5, window_bounds = array<i64: 1, 9, 64, 1>}, {transform_indices = @transform_6, window_bounds = array<i64: 1, 64, 1>}, {transform_indices = @transform_7, window_bounds = array<i64: 1, 128, 64>}, {transform_indices = @transform_8, window_bounds = array<i64: 1, 128, 1>}, {transform_indices = @transform_9, window_bounds = array<i64: 1, 9, 128, 1>}, {transform_indices = @transform_10, window_bounds = array<i64: 1, 128, 1>}, {transform_indices = @transform_11, window_bounds = array<i64: 1, 256, 128>}, {transform_indices = @transform_12, window_bounds = array<i64: 1, 256, 1>}, {transform_indices = @transform_13, window_bounds = array<i64: 1, 768, 256>}, {transform_indices = @transform_14, window_bounds = array<i64: 1, 768, 768>}, {transform_indices = @transform_15, window_bounds = array<i64: 1, 768, 1>}, {pipeline_mode = #tpu.pipeline_mode<synchronous>, transform_indices = @transform_16, window_bounds = array<i64: 256, 768>}, {pipeline_mode = #tpu.pipeline_mode<synchronous>, transform_indices = @transform_17, window_bounds = array<i64: 256, 1>}, {transform_indices = @transform_18, window_bounds = array<i64: 256, 256>}]} {
    %get3A = arith.constant 0 : index
    %get3A_0 = arith.constant 0 : index
    %get3A_1 = vector.load %arg2[%get3A, %get3A_0] : memref<256x768xf32, #tpu.memory_space<vmem>>, vector<256x768xf32>
    %transpose3A = tpu.transpose %get3A_1, [1, 0] : vector<256x768xf32> -> vector<768x256xf32>
    %get3A_2 = arith.constant 0 : index
    %get3A_3 = arith.constant 0 : index
    %get3A_4 = arith.constant 0 : index
    %get3A_5 = vector.load %arg3[%get3A_2, %get3A_3, %get3A_4] : memref<1x192x768xf32, #tpu.memory_space<vmem>>, vector<1x192x768xf32>
    %get3A_6 = vector.shape_cast %get3A_5 : vector<1x192x768xf32> to vector<192x768xf32>
    %dot_general3A = arith.constant dense<0.000000e+00> : vector<192x256xf32>
    %dot_general3A_7 = tpu.matmul %get3A_6, %transpose3A, %dot_general3A {dimension_numbers = #tpu.dot_dimension_numbers<[1], [0], [0], [1], [0, 0, 1, 1], [], []>, transpose_lhs_hint = false} : vector<192x768xf32>, vector<768x256xf32>, vector<192x256xf32> -> vector<192x256xf32>
    %get3A_8 = arith.constant 0 : index
    %get3A_9 = arith.constant 0 : index
    %get3A_10 = arith.constant 0 : index
    %get3A_11 = vector.load %arg4[%get3A_8, %get3A_9, %get3A_10] : memref<1x192x1xf32, #tpu.memory_space<vmem>>, vector<1x192x1xf32>
    %get3A_12 = vector.shape_cast %get3A_11 : vector<1x192x1xf32> to vector<192x1xf32>
    %add3A = vector.broadcast %get3A_12 : vector<192x1xf32> to vector<192x256xf32>
    %add3A_13 = arith.addf %dot_general3A_7, %add3A : vector<192x256xf32>
    %max3A = arith.constant 0.000000e+00 : f32
    %max3A_14 = vector.broadcast %max3A : f32 to vector<192x256xf32>
    %max3A_15 = arith.maximumf %add3A_13, %max3A_14 : vector<192x256xf32>
    %reshape3A = vector.shape_cast %max3A_15 : vector<192x256xf32> to vector<3x8x8x256xf32>
    %slice3A = vector.extract_strided_slice %reshape3A {offsets = [0, 0, 0, 0], sizes = [1, 8, 8, 256], strides = [1, 1, 1, 1]} : vector<3x8x8x256xf32> to vector<1x8x8x256xf32>
    %squeeze3A = vector.shape_cast %slice3A : vector<1x8x8x256xf32> to vector<8x8x256xf32>
    %broadcast_in_dim3A = vector.shape_cast %squeeze3A : vector<8x8x256xf32> to vector<8x8x1x256xf32>
    %get3A_16 = arith.constant 0 : index
    %get3A_17 = arith.constant 0 : index
    %get3A_18 = arith.constant 0 : index
    %get3A_19 = arith.constant 0 : index
    %get3A_20 = vector.load %arg5[%get3A_16, %get3A_17, %get3A_18, %get3A_19] : memref<1x3x64x1xf32, #tpu.memory_space<vmem>>, vector<1x1x64x1xf32>
    %get3A_21 = vector.shape_cast %get3A_20 : vector<1x1x64x1xf32> to vector<64x1xf32>
    %broadcast_in_dim3A_22 = vector.shape_cast %get3A_21 : vector<64x1xf32> to vector<1x1x64x1xf32>
    %mul3A = vector.broadcast %broadcast_in_dim3A : vector<8x8x1x256xf32> to vector<8x8x64x256xf32>
    %mul3A_23 = vector.broadcast %broadcast_in_dim3A_22 : vector<1x1x64x1xf32> to vector<8x8x64x256xf32>
    %mul3A_24 = arith.mulf %mul3A, %mul3A_23 : vector<8x8x64x256xf32>
    %slice3A_25 = vector.extract_strided_slice %reshape3A {offsets = [1, 0, 0, 0], sizes = [1, 8, 8, 256], strides = [1, 1, 1, 1]} : vector<3x8x8x256xf32> to vector<1x8x8x256xf32>
    %squeeze3A_26 = vector.shape_cast %slice3A_25 : vector<1x8x8x256xf32> to vector<8x8x256xf32>
    %broadcast_in_dim3A_27 = vector.shape_cast %squeeze3A_26 : vector<8x8x256xf32> to vector<8x8x1x256xf32>
    %get3A_28 = arith.constant 0 : index
    %get3A_29 = arith.constant 1 : index
    %get3A_30 = arith.constant 0 : index
    %get3A_31 = arith.constant 0 : index
    %get3A_32 = vector.load %arg5[%get3A_28, %get3A_29, %get3A_30, %get3A_31] : memref<1x3x64x1xf32, #tpu.memory_space<vmem>>, vector<1x1x64x1xf32>
    %get3A_33 = vector.shape_cast %get3A_32 : vector<1x1x64x1xf32> to vector<64x1xf32>
    %broadcast_in_dim3A_34 = vector.shape_cast %get3A_33 : vector<64x1xf32> to vector<1x1x64x1xf32>
    %mul3A_35 = vector.broadcast %broadcast_in_dim3A_27 : vector<8x8x1x256xf32> to vector<8x8x64x256xf32>
    %mul3A_36 = vector.broadcast %broadcast_in_dim3A_34 : vector<1x1x64x1xf32> to vector<8x8x64x256xf32>
    %mul3A_37 = arith.mulf %mul3A_35, %mul3A_36 : vector<8x8x64x256xf32>
    %add3A_38 = arith.addf %mul3A_24, %mul3A_37 : vector<8x8x64x256xf32>
    %slice3A_39 = vector.extract_strided_slice %reshape3A {offsets = [2, 0, 0, 0], sizes = [1, 8, 8, 256], strides = [1, 1, 1, 1]} : vector<3x8x8x256xf32> to vector<1x8x8x256xf32>
    %squeeze3A_40 = vector.shape_cast %slice3A_39 : vector<1x8x8x256xf32> to vector<8x8x256xf32>
    %broadcast_in_dim3A_41 = vector.shape_cast %squeeze3A_40 : vector<8x8x256xf32> to vector<8x8x1x256xf32>
    %get3A_42 = arith.constant 0 : index
    %get3A_43 = arith.constant 2 : index
    %get3A_44 = arith.constant 0 : index
    %get3A_45 = arith.constant 0 : index
    %get3A_46 = vector.load %arg5[%get3A_42, %get3A_43, %get3A_44, %get3A_45] : memref<1x3x64x1xf32, #tpu.memory_space<vmem>>, vector<1x1x64x1xf32>
    %get3A_47 = vector.shape_cast %get3A_46 : vector<1x1x64x1xf32> to vector<64x1xf32>
    %broadcast_in_dim3A_48 = vector.shape_cast %get3A_47 : vector<64x1xf32> to vector<1x1x64x1xf32>
    %mul3A_49 = vector.broadcast %broadcast_in_dim3A_41 : vector<8x8x1x256xf32> to vector<8x8x64x256xf32>
    %mul3A_50 = vector.broadcast %broadcast_in_dim3A_48 : vector<1x1x64x1xf32> to vector<8x8x64x256xf32>
    %mul3A_51 = arith.mulf %mul3A_49, %mul3A_50 : vector<8x8x64x256xf32>
    %add3A_52 = arith.addf %add3A_38, %mul3A_51 : vector<8x8x64x256xf32>
    %get3A_53 = arith.constant 0 : index
    %get3A_54 = arith.constant 0 : index
    %get3A_55 = arith.constant 0 : index
    %get3A_56 = vector.load %arg6[%get3A_53, %get3A_54, %get3A_55] : memref<1x64x1xf32, #tpu.memory_space<vmem>>, vector<1x64x1xf32>
    %get3A_57 = vector.shape_cast %get3A_56 : vector<1x64x1xf32> to vector<64x1xf32>
    %broadcast_in_dim3A_58 = vector.shape_cast %get3A_57 : vector<64x1xf32> to vector<1x1x64x1xf32>
    %add3A_59 = vector.broadcast %broadcast_in_dim3A_58 : vector<1x1x64x1xf32> to vector<8x8x64x256xf32>
    %add3A_60 = arith.addf %add3A_52, %add3A_59 : vector<8x8x64x256xf32>
    %max3A_61 = arith.constant 0.000000e+00 : f32
    %max3A_62 = vector.broadcast %max3A_61 : f32 to vector<8x8x64x256xf32>
    %max3A_63 = arith.maximumf %add3A_60, %max3A_62 : vector<8x8x64x256xf32>
    %jit3A = arith.constant 0 : i32
    %convert_element_type3A = arith.sitofp %jit3A : i32 to f32
    %pad3A = vector.broadcast %convert_element_type3A : f32 to vector<1x8x64x256xf32>
    %pad3A_64 = tpu.concatenate %pad3A, %max3A_63 in 0 : vector<1x8x64x256xf32>, vector<8x8x64x256xf32> -> vector<9x8x64x256xf32>
    %pad3A_65 = vector.broadcast %convert_element_type3A : f32 to vector<1x8x64x256xf32>
    %pad3A_66 = tpu.concatenate %pad3A_64, %pad3A_65 in 0 : vector<9x8x64x256xf32>, vector<1x8x64x256xf32> -> vector<10x8x64x256xf32>
    %pad3A_67 = vector.broadcast %convert_element_type3A : f32 to vector<10x1x64x256xf32>
    %pad3A_68 = tpu.concatenate %pad3A_67, %pad3A_66 in 1 : vector<10x1x64x256xf32>, vector<10x8x64x256xf32> -> vector<10x9x64x256xf32>
    %pad3A_69 = vector.broadcast %convert_element_type3A : f32 to vector<10x1x64x256xf32>
    %pad3A_70 = tpu.concatenate %pad3A_68, %pad3A_69 in 1 : vector<10x9x64x256xf32>, vector<10x1x64x256xf32> -> vector<10x10x64x256xf32>
    %reshape3A_71 = vector.shape_cast %pad3A_70 : vector<10x10x64x256xf32> to vector<5x2x5x2x64x256xf32>
    %broadcast_in_dim3A_72 = arith.constant 0.000000e+00 : f32
    %broadcast_in_dim3A_73 = vector.broadcast %broadcast_in_dim3A_72 : f32 to vector<4x4x64x256xf32>
    %slice3A_74 = vector.extract_strided_slice %reshape3A_71 {offsets = [0, 0, 0, 0, 0, 0], sizes = [4, 1, 4, 1, 64, 256], strides = [1, 1, 1, 1, 1, 1]} : vector<5x2x5x2x64x256xf32> to vector<4x1x4x1x64x256xf32>
    %squeeze3A_75 = vector.shape_cast %slice3A_74 : vector<4x1x4x1x64x256xf32> to vector<4x4x64x256xf32>
    %get3A_76 = arith.constant 0 : index
    %get3A_77 = arith.constant 0 : index
    %get3A_78 = arith.constant 0 : index
    %get3A_79 = arith.constant 0 : index
    %get3A_80 = vector.load %arg7[%get3A_76, %get3A_77, %get3A_78, %get3A_79] : memref<1x9x64x1xf32, #tpu.memory_space<vmem>>, vector<1x1x64x1xf32>
    %get3A_81 = vector.shape_cast %get3A_80 : vector<1x1x64x1xf32> to vector<64x1xf32>
    %broadcast_in_dim3A_82 = vector.shape_cast %get3A_81 : vector<64x1xf32> to vector<1x1x64x1xf32>
    %mul3A_83 = vector.broadcast %broadcast_in_dim3A_82 : vector<1x1x64x1xf32> to vector<4x4x64x256xf32>
    %mul3A_84 = arith.mulf %squeeze3A_75, %mul3A_83 : vector<4x4x64x256xf32>
    %add3A_85 = arith.addf %broadcast_in_dim3A_73, %mul3A_84 : vector<4x4x64x256xf32>
    %slice3A_86 = vector.extract_strided_slice %reshape3A_71 {offsets = [0, 0, 0, 1, 0, 0], sizes = [4, 1, 4, 1, 64, 256], strides = [1, 1, 1, 1, 1, 1]} : vector<5x2x5x2x64x256xf32> to vector<4x1x4x1x64x256xf32>
    %squeeze3A_87 = vector.shape_cast %slice3A_86 : vector<4x1x4x1x64x256xf32> to vector<4x4x64x256xf32>
    %get3A_88 = arith.constant 0 : index
    %get3A_89 = arith.constant 1 : index
    %get3A_90 = arith.constant 0 : index
    %get3A_91 = arith.constant 0 : index
    %get3A_92 = vector.load %arg7[%get3A_88, %get3A_89, %get3A_90, %get3A_91] : memref<1x9x64x1xf32, #tpu.memory_space<vmem>>, vector<1x1x64x1xf32>
    %get3A_93 = vector.shape_cast %get3A_92 : vector<1x1x64x1xf32> to vector<64x1xf32>
    %broadcast_in_dim3A_94 = vector.shape_cast %get3A_93 : vector<64x1xf32> to vector<1x1x64x1xf32>
    %mul3A_95 = vector.broadcast %broadcast_in_dim3A_94 : vector<1x1x64x1xf32> to vector<4x4x64x256xf32>
    %mul3A_96 = arith.mulf %squeeze3A_87, %mul3A_95 : vector<4x4x64x256xf32>
    %add3A_97 = arith.addf %add3A_85, %mul3A_96 : vector<4x4x64x256xf32>
    %slice3A_98 = vector.extract_strided_slice %reshape3A_71 {offsets = [0, 0, 1, 0, 0, 0], sizes = [4, 1, 4, 1, 64, 256], strides = [1, 1, 1, 1, 1, 1]} : vector<5x2x5x2x64x256xf32> to vector<4x1x4x1x64x256xf32>
    %squeeze3A_99 = vector.shape_cast %slice3A_98 : vector<4x1x4x1x64x256xf32> to vector<4x4x64x256xf32>
    %get3A_100 = arith.constant 0 : index
    %get3A_101 = arith.constant 2 : index
    %get3A_102 = arith.constant 0 : index
    %get3A_103 = arith.constant 0 : index
    %get3A_104 = vector.load %arg7[%get3A_100, %get3A_101, %get3A_102, %get3A_103] : memref<1x9x64x1xf32, #tpu.memory_space<vmem>>, vector<1x1x64x1xf32>
    %get3A_105 = vector.shape_cast %get3A_104 : vector<1x1x64x1xf32> to vector<64x1xf32>
    %broadcast_in_dim3A_106 = vector.shape_cast %get3A_105 : vector<64x1xf32> to vector<1x1x64x1xf32>
    %mul3A_107 = vector.broadcast %broadcast_in_dim3A_106 : vector<1x1x64x1xf32> to vector<4x4x64x256xf32>
    %mul3A_108 = arith.mulf %squeeze3A_99, %mul3A_107 : vector<4x4x64x256xf32>
    %add3A_109 = arith.addf %add3A_97, %mul3A_108 : vector<4x4x64x256xf32>
    %slice3A_110 = vector.extract_strided_slice %reshape3A_71 {offsets = [0, 1, 0, 0, 0, 0], sizes = [4, 1, 4, 1, 64, 256], strides = [1, 1, 1, 1, 1, 1]} : vector<5x2x5x2x64x256xf32> to vector<4x1x4x1x64x256xf32>
    %squeeze3A_111 = vector.shape_cast %slice3A_110 : vector<4x1x4x1x64x256xf32> to vector<4x4x64x256xf32>
    %get3A_112 = arith.constant 0 : index
    %get3A_113 = arith.constant 3 : index
    %get3A_114 = arith.constant 0 : index
    %get3A_115 = arith.constant 0 : index
    %get3A_116 = vector.load %arg7[%get3A_112, %get3A_113, %get3A_114, %get3A_115] : memref<1x9x64x1xf32, #tpu.memory_space<vmem>>, vector<1x1x64x1xf32>
    %get3A_117 = vector.shape_cast %get3A_116 : vector<1x1x64x1xf32> to vector<64x1xf32>
    %broadcast_in_dim3A_118 = vector.shape_cast %get3A_117 : vector<64x1xf32> to vector<1x1x64x1xf32>
    %mul3A_119 = vector.broadcast %broadcast_in_dim3A_118 : vector<1x1x64x1xf32> to vector<4x4x64x256xf32>
    %mul3A_120 = arith.mulf %squeeze3A_111, %mul3A_119 : vector<4x4x64x256xf32>
    %add3A_121 = arith.addf %add3A_109, %mul3A_120 : vector<4x4x64x256xf32>
    %slice3A_122 = vector.extract_strided_slice %reshape3A_71 {offsets = [0, 1, 0, 1, 0, 0], sizes = [4, 1, 4, 1, 64, 256], strides = [1, 1, 1, 1, 1, 1]} : vector<5x2x5x2x64x256xf32> to vector<4x1x4x1x64x256xf32>
    %squeeze3A_123 = vector.shape_cast %slice3A_122 : vector<4x1x4x1x64x256xf32> to vector<4x4x64x256xf32>
    %get3A_124 = arith.constant 0 : index
    %get3A_125 = arith.constant 4 : index
    %get3A_126 = arith.constant 0 : index
    %get3A_127 = arith.constant 0 : index
    %get3A_128 = vector.load %arg7[%get3A_124, %get3A_125, %get3A_126, %get3A_127] : memref<1x9x64x1xf32, #tpu.memory_space<vmem>>, vector<1x1x64x1xf32>
    %get3A_129 = vector.shape_cast %get3A_128 : vector<1x1x64x1xf32> to vector<64x1xf32>
    %broadcast_in_dim3A_130 = vector.shape_cast %get3A_129 : vector<64x1xf32> to vector<1x1x64x1xf32>
    %mul3A_131 = vector.broadcast %broadcast_in_dim3A_130 : vector<1x1x64x1xf32> to vector<4x4x64x256xf32>
    %mul3A_132 = arith.mulf %squeeze3A_123, %mul3A_131 : vector<4x4x64x256xf32>
    %add3A_133 = arith.addf %add3A_121, %mul3A_132 : vector<4x4x64x256xf32>
    %slice3A_134 = vector.extract_strided_slice %reshape3A_71 {offsets = [0, 1, 1, 0, 0, 0], sizes = [4, 1, 4, 1, 64, 256], strides = [1, 1, 1, 1, 1, 1]} : vector<5x2x5x2x64x256xf32> to vector<4x1x4x1x64x256xf32>
    %squeeze3A_135 = vector.shape_cast %slice3A_134 : vector<4x1x4x1x64x256xf32> to vector<4x4x64x256xf32>
    %get3A_136 = arith.constant 0 : index
    %get3A_137 = arith.constant 5 : index
    %get3A_138 = arith.constant 0 : index
    %get3A_139 = arith.constant 0 : index
    %get3A_140 = vector.load %arg7[%get3A_136, %get3A_137, %get3A_138, %get3A_139] : memref<1x9x64x1xf32, #tpu.memory_space<vmem>>, vector<1x1x64x1xf32>
    %get3A_141 = vector.shape_cast %get3A_140 : vector<1x1x64x1xf32> to vector<64x1xf32>
    %broadcast_in_dim3A_142 = vector.shape_cast %get3A_141 : vector<64x1xf32> to vector<1x1x64x1xf32>
    %mul3A_143 = vector.broadcast %broadcast_in_dim3A_142 : vector<1x1x64x1xf32> to vector<4x4x64x256xf32>
    %mul3A_144 = arith.mulf %squeeze3A_135, %mul3A_143 : vector<4x4x64x256xf32>
    %add3A_145 = arith.addf %add3A_133, %mul3A_144 : vector<4x4x64x256xf32>
    %slice3A_146 = vector.extract_strided_slice %reshape3A_71 {offsets = [1, 0, 0, 0, 0, 0], sizes = [4, 1, 4, 1, 64, 256], strides = [1, 1, 1, 1, 1, 1]} : vector<5x2x5x2x64x256xf32> to vector<4x1x4x1x64x256xf32>
    %squeeze3A_147 = vector.shape_cast %slice3A_146 : vector<4x1x4x1x64x256xf32> to vector<4x4x64x256xf32>
    %get3A_148 = arith.constant 0 : index
    %get3A_149 = arith.constant 6 : index
    %get3A_150 = arith.constant 0 : index
    %get3A_151 = arith.constant 0 : index
    %get3A_152 = vector.load %arg7[%get3A_148, %get3A_149, %get3A_150, %get3A_151] : memref<1x9x64x1xf32, #tpu.memory_space<vmem>>, vector<1x1x64x1xf32>
    %get3A_153 = vector.shape_cast %get3A_152 : vector<1x1x64x1xf32> to vector<64x1xf32>
    %broadcast_in_dim3A_154 = vector.shape_cast %get3A_153 : vector<64x1xf32> to vector<1x1x64x1xf32>
    %mul3A_155 = vector.broadcast %broadcast_in_dim3A_154 : vector<1x1x64x1xf32> to vector<4x4x64x256xf32>
    %mul3A_156 = arith.mulf %squeeze3A_147, %mul3A_155 : vector<4x4x64x256xf32>
    %add3A_157 = arith.addf %add3A_145, %mul3A_156 : vector<4x4x64x256xf32>
    %slice3A_158 = vector.extract_strided_slice %reshape3A_71 {offsets = [1, 0, 0, 1, 0, 0], sizes = [4, 1, 4, 1, 64, 256], strides = [1, 1, 1, 1, 1, 1]} : vector<5x2x5x2x64x256xf32> to vector<4x1x4x1x64x256xf32>
    %squeeze3A_159 = vector.shape_cast %slice3A_158 : vector<4x1x4x1x64x256xf32> to vector<4x4x64x256xf32>
    %get3A_160 = arith.constant 0 : index
    %get3A_161 = arith.constant 7 : index
    %get3A_162 = arith.constant 0 : index
    %get3A_163 = arith.constant 0 : index
    %get3A_164 = vector.load %arg7[%get3A_160, %get3A_161, %get3A_162, %get3A_163] : memref<1x9x64x1xf32, #tpu.memory_space<vmem>>, vector<1x1x64x1xf32>
    %get3A_165 = vector.shape_cast %get3A_164 : vector<1x1x64x1xf32> to vector<64x1xf32>
    %broadcast_in_dim3A_166 = vector.shape_cast %get3A_165 : vector<64x1xf32> to vector<1x1x64x1xf32>
    %mul3A_167 = vector.broadcast %broadcast_in_dim3A_166 : vector<1x1x64x1xf32> to vector<4x4x64x256xf32>
    %mul3A_168 = arith.mulf %squeeze3A_159, %mul3A_167 : vector<4x4x64x256xf32>
    %add3A_169 = arith.addf %add3A_157, %mul3A_168 : vector<4x4x64x256xf32>
    %slice3A_170 = vector.extract_strided_slice %reshape3A_71 {offsets = [1, 0, 1, 0, 0, 0], sizes = [4, 1, 4, 1, 64, 256], strides = [1, 1, 1, 1, 1, 1]} : vector<5x2x5x2x64x256xf32> to vector<4x1x4x1x64x256xf32>
    %squeeze3A_171 = vector.shape_cast %slice3A_170 : vector<4x1x4x1x64x256xf32> to vector<4x4x64x256xf32>
    %get3A_172 = arith.constant 0 : index
    %get3A_173 = arith.constant 8 : index
    %get3A_174 = arith.constant 0 : index
    %get3A_175 = arith.constant 0 : index
    %get3A_176 = vector.load %arg7[%get3A_172, %get3A_173, %get3A_174, %get3A_175] : memref<1x9x64x1xf32, #tpu.memory_space<vmem>>, vector<1x1x64x1xf32>
    %get3A_177 = vector.shape_cast %get3A_176 : vector<1x1x64x1xf32> to vector<64x1xf32>
    %broadcast_in_dim3A_178 = vector.shape_cast %get3A_177 : vector<64x1xf32> to vector<1x1x64x1xf32>
    %mul3A_179 = vector.broadcast %broadcast_in_dim3A_178 : vector<1x1x64x1xf32> to vector<4x4x64x256xf32>
    %mul3A_180 = arith.mulf %squeeze3A_171, %mul3A_179 : vector<4x4x64x256xf32>
    %add3A_181 = arith.addf %add3A_169, %mul3A_180 : vector<4x4x64x256xf32>
    %get3A_182 = arith.constant 0 : index
    %get3A_183 = arith.constant 0 : index
    %get3A_184 = arith.constant 0 : index
    %get3A_185 = vector.load %arg8[%get3A_182, %get3A_183, %get3A_184] : memref<1x64x1xf32, #tpu.memory_space<vmem>>, vector<1x64x1xf32>
    %get3A_186 = vector.shape_cast %get3A_185 : vector<1x64x1xf32> to vector<64x1xf32>
    %broadcast_in_dim3A_187 = vector.shape_cast %get3A_186 : vector<64x1xf32> to vector<1x1x64x1xf32>
    %add3A_188 = vector.broadcast %broadcast_in_dim3A_187 : vector<1x1x64x1xf32> to vector<4x4x64x256xf32>
    %add3A_189 = arith.addf %add3A_181, %add3A_188 : vector<4x4x64x256xf32>
    %max3A_190 = arith.constant 0.000000e+00 : f32
    %max3A_191 = vector.broadcast %max3A_190 : f32 to vector<4x4x64x256xf32>
    %max3A_192 = arith.maximumf %add3A_189, %max3A_191 : vector<4x4x64x256xf32>
    %reshape3A_193 = vector.shape_cast %max3A_192 : vector<4x4x64x256xf32> to vector<16x64x256xf32>
    %get3A_194 = arith.constant 0 : index
    %get3A_195 = arith.constant 0 : index
    %get3A_196 = arith.constant 0 : index
    %get3A_197 = vector.load %arg9[%get3A_194, %get3A_195, %get3A_196] : memref<1x128x64xf32, #tpu.memory_space<vmem>>, vector<1x128x64xf32>
    %get3A_198 = vector.shape_cast %get3A_197 : vector<1x128x64xf32> to vector<128x64xf32>
    %slice3A_199 = vector.extract_strided_slice %reshape3A_193 {offsets = [0, 0, 0], sizes = [1, 64, 256], strides = [1, 1, 1]} : vector<16x64x256xf32> to vector<1x64x256xf32>
    %squeeze3A_200 = vector.shape_cast %slice3A_199 : vector<1x64x256xf32> to vector<64x256xf32>
    %dot_general3A_201 = arith.constant dense<0.000000e+00> : vector<128x256xf32>
    %dot_general3A_202 = tpu.matmul %get3A_198, %squeeze3A_200, %dot_general3A_201 {dimension_numbers = #tpu.dot_dimension_numbers<[1], [0], [0], [1], [0, 0, 1, 1], [], []>, transpose_lhs_hint = false} : vector<128x64xf32>, vector<64x256xf32>, vector<128x256xf32> -> vector<128x256xf32>
    %slice3A_203 = vector.extract_strided_slice %reshape3A_193 {offsets = [1, 0, 0], sizes = [1, 64, 256], strides = [1, 1, 1]} : vector<16x64x256xf32> to vector<1x64x256xf32>
    %squeeze3A_204 = vector.shape_cast %slice3A_203 : vector<1x64x256xf32> to vector<64x256xf32>
    %dot_general3A_205 = arith.constant dense<0.000000e+00> : vector<128x256xf32>
    %dot_general3A_206 = tpu.matmul %get3A_198, %squeeze3A_204, %dot_general3A_205 {dimension_numbers = #tpu.dot_dimension_numbers<[1], [0], [0], [1], [0, 0, 1, 1], [], []>, transpose_lhs_hint = false} : vector<128x64xf32>, vector<64x256xf32>, vector<128x256xf32> -> vector<128x256xf32>
    %slice3A_207 = vector.extract_strided_slice %reshape3A_193 {offsets = [2, 0, 0], sizes = [1, 64, 256], strides = [1, 1, 1]} : vector<16x64x256xf32> to vector<1x64x256xf32>
    %squeeze3A_208 = vector.shape_cast %slice3A_207 : vector<1x64x256xf32> to vector<64x256xf32>
    %dot_general3A_209 = arith.constant dense<0.000000e+00> : vector<128x256xf32>
    %dot_general3A_210 = tpu.matmul %get3A_198, %squeeze3A_208, %dot_general3A_209 {dimension_numbers = #tpu.dot_dimension_numbers<[1], [0], [0], [1], [0, 0, 1, 1], [], []>, transpose_lhs_hint = false} : vector<128x64xf32>, vector<64x256xf32>, vector<128x256xf32> -> vector<128x256xf32>
    %slice3A_211 = vector.extract_strided_slice %reshape3A_193 {offsets = [3, 0, 0], sizes = [1, 64, 256], strides = [1, 1, 1]} : vector<16x64x256xf32> to vector<1x64x256xf32>
    %squeeze3A_212 = vector.shape_cast %slice3A_211 : vector<1x64x256xf32> to vector<64x256xf32>
    %dot_general3A_213 = arith.constant dense<0.000000e+00> : vector<128x256xf32>
    %dot_general3A_214 = tpu.matmul %get3A_198, %squeeze3A_212, %dot_general3A_213 {dimension_numbers = #tpu.dot_dimension_numbers<[1], [0], [0], [1], [0, 0, 1, 1], [], []>, transpose_lhs_hint = false} : vector<128x64xf32>, vector<64x256xf32>, vector<128x256xf32> -> vector<128x256xf32>
    %slice3A_215 = vector.extract_strided_slice %reshape3A_193 {offsets = [4, 0, 0], sizes = [1, 64, 256], strides = [1, 1, 1]} : vector<16x64x256xf32> to vector<1x64x256xf32>
    %squeeze3A_216 = vector.shape_cast %slice3A_215 : vector<1x64x256xf32> to vector<64x256xf32>
    %dot_general3A_217 = arith.constant dense<0.000000e+00> : vector<128x256xf32>
    %dot_general3A_218 = tpu.matmul %get3A_198, %squeeze3A_216, %dot_general3A_217 {dimension_numbers = #tpu.dot_dimension_numbers<[1], [0], [0], [1], [0, 0, 1, 1], [], []>, transpose_lhs_hint = false} : vector<128x64xf32>, vector<64x256xf32>, vector<128x256xf32> -> vector<128x256xf32>
    %slice3A_219 = vector.extract_strided_slice %reshape3A_193 {offsets = [5, 0, 0], sizes = [1, 64, 256], strides = [1, 1, 1]} : vector<16x64x256xf32> to vector<1x64x256xf32>
    %squeeze3A_220 = vector.shape_cast %slice3A_219 : vector<1x64x256xf32> to vector<64x256xf32>
    %dot_general3A_221 = arith.constant dense<0.000000e+00> : vector<128x256xf32>
    %dot_general3A_222 = tpu.matmul %get3A_198, %squeeze3A_220, %dot_general3A_221 {dimension_numbers = #tpu.dot_dimension_numbers<[1], [0], [0], [1], [0, 0, 1, 1], [], []>, transpose_lhs_hint = false} : vector<128x64xf32>, vector<64x256xf32>, vector<128x256xf32> -> vector<128x256xf32>
    %slice3A_223 = vector.extract_strided_slice %reshape3A_193 {offsets = [6, 0, 0], sizes = [1, 64, 256], strides = [1, 1, 1]} : vector<16x64x256xf32> to vector<1x64x256xf32>
    %squeeze3A_224 = vector.shape_cast %slice3A_223 : vector<1x64x256xf32> to vector<64x256xf32>
    %dot_general3A_225 = arith.constant dense<0.000000e+00> : vector<128x256xf32>
    %dot_general3A_226 = tpu.matmul %get3A_198, %squeeze3A_224, %dot_general3A_225 {dimension_numbers = #tpu.dot_dimension_numbers<[1], [0], [0], [1], [0, 0, 1, 1], [], []>, transpose_lhs_hint = false} : vector<128x64xf32>, vector<64x256xf32>, vector<128x256xf32> -> vector<128x256xf32>
    %slice3A_227 = vector.extract_strided_slice %reshape3A_193 {offsets = [7, 0, 0], sizes = [1, 64, 256], strides = [1, 1, 1]} : vector<16x64x256xf32> to vector<1x64x256xf32>
    %squeeze3A_228 = vector.shape_cast %slice3A_227 : vector<1x64x256xf32> to vector<64x256xf32>
    %dot_general3A_229 = arith.constant dense<0.000000e+00> : vector<128x256xf32>
    %dot_general3A_230 = tpu.matmul %get3A_198, %squeeze3A_228, %dot_general3A_229 {dimension_numbers = #tpu.dot_dimension_numbers<[1], [0], [0], [1], [0, 0, 1, 1], [], []>, transpose_lhs_hint = false} : vector<128x64xf32>, vector<64x256xf32>, vector<128x256xf32> -> vector<128x256xf32>
    %slice3A_231 = vector.extract_strided_slice %reshape3A_193 {offsets = [8, 0, 0], sizes = [1, 64, 256], strides = [1, 1, 1]} : vector<16x64x256xf32> to vector<1x64x256xf32>
    %squeeze3A_232 = vector.shape_cast %slice3A_231 : vector<1x64x256xf32> to vector<64x256xf32>
    %dot_general3A_233 = arith.constant dense<0.000000e+00> : vector<128x256xf32>
    %dot_general3A_234 = tpu.matmul %get3A_198, %squeeze3A_232, %dot_general3A_233 {dimension_numbers = #tpu.dot_dimension_numbers<[1], [0], [0], [1], [0, 0, 1, 1], [], []>, transpose_lhs_hint = false} : vector<128x64xf32>, vector<64x256xf32>, vector<128x256xf32> -> vector<128x256xf32>
    %slice3A_235 = vector.extract_strided_slice %reshape3A_193 {offsets = [9, 0, 0], sizes = [1, 64, 256], strides = [1, 1, 1]} : vector<16x64x256xf32> to vector<1x64x256xf32>
    %squeeze3A_236 = vector.shape_cast %slice3A_235 : vector<1x64x256xf32> to vector<64x256xf32>
    %dot_general3A_237 = arith.constant dense<0.000000e+00> : vector<128x256xf32>
    %dot_general3A_238 = tpu.matmul %get3A_198, %squeeze3A_236, %dot_general3A_237 {dimension_numbers = #tpu.dot_dimension_numbers<[1], [0], [0], [1], [0, 0, 1, 1], [], []>, transpose_lhs_hint = false} : vector<128x64xf32>, vector<64x256xf32>, vector<128x256xf32> -> vector<128x256xf32>
    %slice3A_239 = vector.extract_strided_slice %reshape3A_193 {offsets = [10, 0, 0], sizes = [1, 64, 256], strides = [1, 1, 1]} : vector<16x64x256xf32> to vector<1x64x256xf32>
    %squeeze3A_240 = vector.shape_cast %slice3A_239 : vector<1x64x256xf32> to vector<64x256xf32>
    %dot_general3A_241 = arith.constant dense<0.000000e+00> : vector<128x256xf32>
    %dot_general3A_242 = tpu.matmul %get3A_198, %squeeze3A_240, %dot_general3A_241 {dimension_numbers = #tpu.dot_dimension_numbers<[1], [0], [0], [1], [0, 0, 1, 1], [], []>, transpose_lhs_hint = false} : vector<128x64xf32>, vector<64x256xf32>, vector<128x256xf32> -> vector<128x256xf32>
    %slice3A_243 = vector.extract_strided_slice %reshape3A_193 {offsets = [11, 0, 0], sizes = [1, 64, 256], strides = [1, 1, 1]} : vector<16x64x256xf32> to vector<1x64x256xf32>
    %squeeze3A_244 = vector.shape_cast %slice3A_243 : vector<1x64x256xf32> to vector<64x256xf32>
    %dot_general3A_245 = arith.constant dense<0.000000e+00> : vector<128x256xf32>
    %dot_general3A_246 = tpu.matmul %get3A_198, %squeeze3A_244, %dot_general3A_245 {dimension_numbers = #tpu.dot_dimension_numbers<[1], [0], [0], [1], [0, 0, 1, 1], [], []>, transpose_lhs_hint = false} : vector<128x64xf32>, vector<64x256xf32>, vector<128x256xf32> -> vector<128x256xf32>
    %slice3A_247 = vector.extract_strided_slice %reshape3A_193 {offsets = [12, 0, 0], sizes = [1, 64, 256], strides = [1, 1, 1]} : vector<16x64x256xf32> to vector<1x64x256xf32>
    %squeeze3A_248 = vector.shape_cast %slice3A_247 : vector<1x64x256xf32> to vector<64x256xf32>
    %dot_general3A_249 = arith.constant dense<0.000000e+00> : vector<128x256xf32>
    %dot_general3A_250 = tpu.matmul %get3A_198, %squeeze3A_248, %dot_general3A_249 {dimension_numbers = #tpu.dot_dimension_numbers<[1], [0], [0], [1], [0, 0, 1, 1], [], []>, transpose_lhs_hint = false} : vector<128x64xf32>, vector<64x256xf32>, vector<128x256xf32> -> vector<128x256xf32>
    %slice3A_251 = vector.extract_strided_slice %reshape3A_193 {offsets = [13, 0, 0], sizes = [1, 64, 256], strides = [1, 1, 1]} : vector<16x64x256xf32> to vector<1x64x256xf32>
    %squeeze3A_252 = vector.shape_cast %slice3A_251 : vector<1x64x256xf32> to vector<64x256xf32>
    %dot_general3A_253 = arith.constant dense<0.000000e+00> : vector<128x256xf32>
    %dot_general3A_254 = tpu.matmul %get3A_198, %squeeze3A_252, %dot_general3A_253 {dimension_numbers = #tpu.dot_dimension_numbers<[1], [0], [0], [1], [0, 0, 1, 1], [], []>, transpose_lhs_hint = false} : vector<128x64xf32>, vector<64x256xf32>, vector<128x256xf32> -> vector<128x256xf32>
    %slice3A_255 = vector.extract_strided_slice %reshape3A_193 {offsets = [14, 0, 0], sizes = [1, 64, 256], strides = [1, 1, 1]} : vector<16x64x256xf32> to vector<1x64x256xf32>
    %squeeze3A_256 = vector.shape_cast %slice3A_255 : vector<1x64x256xf32> to vector<64x256xf32>
    %dot_general3A_257 = arith.constant dense<0.000000e+00> : vector<128x256xf32>
    %dot_general3A_258 = tpu.matmul %get3A_198, %squeeze3A_256, %dot_general3A_257 {dimension_numbers = #tpu.dot_dimension_numbers<[1], [0], [0], [1], [0, 0, 1, 1], [], []>, transpose_lhs_hint = false} : vector<128x64xf32>, vector<64x256xf32>, vector<128x256xf32> -> vector<128x256xf32>
    %slice3A_259 = vector.extract_strided_slice %reshape3A_193 {offsets = [15, 0, 0], sizes = [1, 64, 256], strides = [1, 1, 1]} : vector<16x64x256xf32> to vector<1x64x256xf32>
    %squeeze3A_260 = vector.shape_cast %slice3A_259 : vector<1x64x256xf32> to vector<64x256xf32>
    %dot_general3A_261 = arith.constant dense<0.000000e+00> : vector<128x256xf32>
    %dot_general3A_262 = tpu.matmul %get3A_198, %squeeze3A_260, %dot_general3A_261 {dimension_numbers = #tpu.dot_dimension_numbers<[1], [0], [0], [1], [0, 0, 1, 1], [], []>, transpose_lhs_hint = false} : vector<128x64xf32>, vector<64x256xf32>, vector<128x256xf32> -> vector<128x256xf32>
    %stack3A = vector.shape_cast %dot_general3A_202 : vector<128x256xf32> to vector<1x128x256xf32>
    %stack3A_263 = vector.shape_cast %dot_general3A_206 : vector<128x256xf32> to vector<1x128x256xf32>
    %stack3A_264 = vector.shape_cast %dot_general3A_210 : vector<128x256xf32> to vector<1x128x256xf32>
    %stack3A_265 = vector.shape_cast %dot_general3A_214 : vector<128x256xf32> to vector<1x128x256xf32>
    %stack3A_266 = vector.shape_cast %dot_general3A_218 : vector<128x256xf32> to vector<1x128x256xf32>
    %stack3A_267 = vector.shape_cast %dot_general3A_222 : vector<128x256xf32> to vector<1x128x256xf32>
    %stack3A_268 = vector.shape_cast %dot_general3A_226 : vector<128x256xf32> to vector<1x128x256xf32>
    %stack3A_269 = vector.shape_cast %dot_general3A_230 : vector<128x256xf32> to vector<1x128x256xf32>
    %stack3A_270 = vector.shape_cast %dot_general3A_234 : vector<128x256xf32> to vector<1x128x256xf32>
    %stack3A_271 = vector.shape_cast %dot_general3A_238 : vector<128x256xf32> to vector<1x128x256xf32>
    %stack3A_272 = vector.shape_cast %dot_general3A_242 : vector<128x256xf32> to vector<1x128x256xf32>
    %stack3A_273 = vector.shape_cast %dot_general3A_246 : vector<128x256xf32> to vector<1x128x256xf32>
    %stack3A_274 = vector.shape_cast %dot_general3A_250 : vector<128x256xf32> to vector<1x128x256xf32>
    %stack3A_275 = vector.shape_cast %dot_general3A_254 : vector<128x256xf32> to vector<1x128x256xf32>
    %stack3A_276 = vector.shape_cast %dot_general3A_258 : vector<128x256xf32> to vector<1x128x256xf32>
    %stack3A_277 = vector.shape_cast %dot_general3A_262 : vector<128x256xf32> to vector<1x128x256xf32>
    %stack3A_278 = tpu.concatenate %stack3A, %stack3A_263, %stack3A_264, %stack3A_265, %stack3A_266, %stack3A_267, %stack3A_268, %stack3A_269, %stack3A_270, %stack3A_271, %stack3A_272, %stack3A_273, %stack3A_274, %stack3A_275, %stack3A_276, %stack3A_277 in 0 : vector<1x128x256xf32>, vector<1x128x256xf32>, vector<1x128x256xf32>, vector<1x128x256xf32>, vector<1x128x256xf32>, vector<1x128x256xf32>, vector<1x128x256xf32>, vector<1x128x256xf32>, vector<1x128x256xf32>, vector<1x128x256xf32>, vector<1x128x256xf32>, vector<1x128x256xf32>, vector<1x128x256xf32>, vector<1x128x256xf32>, vector<1x128x256xf32>, vector<1x128x256xf32> -> vector<16x128x256xf32>
    %reshape3A_279 = vector.shape_cast %stack3A_278 : vector<16x128x256xf32> to vector<4x4x128x256xf32>
    %get3A_280 = arith.constant 0 : index
    %get3A_281 = arith.constant 0 : index
    %get3A_282 = arith.constant 0 : index
    %get3A_283 = vector.load %arg10[%get3A_280, %get3A_281, %get3A_282] : memref<1x128x1xf32, #tpu.memory_space<vmem>>, vector<1x128x1xf32>
    %get3A_284 = vector.shape_cast %get3A_283 : vector<1x128x1xf32> to vector<128x1xf32>
    %broadcast_in_dim3A_285 = vector.shape_cast %get3A_284 : vector<128x1xf32> to vector<1x1x128x1xf32>
    %add3A_286 = vector.broadcast %broadcast_in_dim3A_285 : vector<1x1x128x1xf32> to vector<4x4x128x256xf32>
    %add3A_287 = arith.addf %reshape3A_279, %add3A_286 : vector<4x4x128x256xf32>
    %max3A_288 = arith.constant 0.000000e+00 : f32
    %max3A_289 = vector.broadcast %max3A_288 : f32 to vector<4x4x128x256xf32>
    %max3A_290 = arith.maximumf %add3A_287, %max3A_289 : vector<4x4x128x256xf32>
    %jit3A_291 = arith.constant 0 : i32
    %convert_element_type3A_292 = arith.sitofp %jit3A_291 : i32 to f32
    %pad3A_293 = vector.broadcast %convert_element_type3A_292 : f32 to vector<1x4x128x256xf32>
    %pad3A_294 = tpu.concatenate %pad3A_293, %max3A_290 in 0 : vector<1x4x128x256xf32>, vector<4x4x128x256xf32> -> vector<5x4x128x256xf32>
    %pad3A_295 = vector.broadcast %convert_element_type3A_292 : f32 to vector<1x4x128x256xf32>
    %pad3A_296 = tpu.concatenate %pad3A_294, %pad3A_295 in 0 : vector<5x4x128x256xf32>, vector<1x4x128x256xf32> -> vector<6x4x128x256xf32>
    %pad3A_297 = vector.broadcast %convert_element_type3A_292 : f32 to vector<6x1x128x256xf32>
    %pad3A_298 = tpu.concatenate %pad3A_297, %pad3A_296 in 1 : vector<6x1x128x256xf32>, vector<6x4x128x256xf32> -> vector<6x5x128x256xf32>
    %pad3A_299 = vector.broadcast %convert_element_type3A_292 : f32 to vector<6x1x128x256xf32>
    %pad3A_300 = tpu.concatenate %pad3A_298, %pad3A_299 in 1 : vector<6x5x128x256xf32>, vector<6x1x128x256xf32> -> vector<6x6x128x256xf32>
    %reshape3A_301 = vector.shape_cast %pad3A_300 : vector<6x6x128x256xf32> to vector<3x2x3x2x128x256xf32>
    %broadcast_in_dim3A_302 = arith.constant 0.000000e+00 : f32
    %broadcast_in_dim3A_303 = vector.broadcast %broadcast_in_dim3A_302 : f32 to vector<2x2x128x256xf32>
    %slice3A_304 = vector.extract_strided_slice %reshape3A_301 {offsets = [0, 0, 0, 0, 0, 0], sizes = [2, 1, 2, 1, 128, 256], strides = [1, 1, 1, 1, 1, 1]} : vector<3x2x3x2x128x256xf32> to vector<2x1x2x1x128x256xf32>
    %squeeze3A_305 = vector.shape_cast %slice3A_304 : vector<2x1x2x1x128x256xf32> to vector<2x2x128x256xf32>
    %get3A_306 = arith.constant 0 : index
    %get3A_307 = arith.constant 0 : index
    %get3A_308 = arith.constant 0 : index
    %get3A_309 = arith.constant 0 : index
    %get3A_310 = vector.load %arg11[%get3A_306, %get3A_307, %get3A_308, %get3A_309] : memref<1x9x128x1xf32, #tpu.memory_space<vmem>>, vector<1x1x128x1xf32>
    %get3A_311 = vector.shape_cast %get3A_310 : vector<1x1x128x1xf32> to vector<128x1xf32>
    %broadcast_in_dim3A_312 = vector.shape_cast %get3A_311 : vector<128x1xf32> to vector<1x1x128x1xf32>
    %mul3A_313 = vector.broadcast %broadcast_in_dim3A_312 : vector<1x1x128x1xf32> to vector<2x2x128x256xf32>
    %mul3A_314 = arith.mulf %squeeze3A_305, %mul3A_313 : vector<2x2x128x256xf32>
    %add3A_315 = arith.addf %broadcast_in_dim3A_303, %mul3A_314 : vector<2x2x128x256xf32>
    %slice3A_316 = vector.extract_strided_slice %reshape3A_301 {offsets = [0, 0, 0, 1, 0, 0], sizes = [2, 1, 2, 1, 128, 256], strides = [1, 1, 1, 1, 1, 1]} : vector<3x2x3x2x128x256xf32> to vector<2x1x2x1x128x256xf32>
    %squeeze3A_317 = vector.shape_cast %slice3A_316 : vector<2x1x2x1x128x256xf32> to vector<2x2x128x256xf32>
    %get3A_318 = arith.constant 0 : index
    %get3A_319 = arith.constant 1 : index
    %get3A_320 = arith.constant 0 : index
    %get3A_321 = arith.constant 0 : index
    %get3A_322 = vector.load %arg11[%get3A_318, %get3A_319, %get3A_320, %get3A_321] : memref<1x9x128x1xf32, #tpu.memory_space<vmem>>, vector<1x1x128x1xf32>
    %get3A_323 = vector.shape_cast %get3A_322 : vector<1x1x128x1xf32> to vector<128x1xf32>
    %broadcast_in_dim3A_324 = vector.shape_cast %get3A_323 : vector<128x1xf32> to vector<1x1x128x1xf32>
    %mul3A_325 = vector.broadcast %broadcast_in_dim3A_324 : vector<1x1x128x1xf32> to vector<2x2x128x256xf32>
    %mul3A_326 = arith.mulf %squeeze3A_317, %mul3A_325 : vector<2x2x128x256xf32>
    %add3A_327 = arith.addf %add3A_315, %mul3A_326 : vector<2x2x128x256xf32>
    %slice3A_328 = vector.extract_strided_slice %reshape3A_301 {offsets = [0, 0, 1, 0, 0, 0], sizes = [2, 1, 2, 1, 128, 256], strides = [1, 1, 1, 1, 1, 1]} : vector<3x2x3x2x128x256xf32> to vector<2x1x2x1x128x256xf32>
    %squeeze3A_329 = vector.shape_cast %slice3A_328 : vector<2x1x2x1x128x256xf32> to vector<2x2x128x256xf32>
    %get3A_330 = arith.constant 0 : index
    %get3A_331 = arith.constant 2 : index
    %get3A_332 = arith.constant 0 : index
    %get3A_333 = arith.constant 0 : index
    %get3A_334 = vector.load %arg11[%get3A_330, %get3A_331, %get3A_332, %get3A_333] : memref<1x9x128x1xf32, #tpu.memory_space<vmem>>, vector<1x1x128x1xf32>
    %get3A_335 = vector.shape_cast %get3A_334 : vector<1x1x128x1xf32> to vector<128x1xf32>
    %broadcast_in_dim3A_336 = vector.shape_cast %get3A_335 : vector<128x1xf32> to vector<1x1x128x1xf32>
    %mul3A_337 = vector.broadcast %broadcast_in_dim3A_336 : vector<1x1x128x1xf32> to vector<2x2x128x256xf32>
    %mul3A_338 = arith.mulf %squeeze3A_329, %mul3A_337 : vector<2x2x128x256xf32>
    %add3A_339 = arith.addf %add3A_327, %mul3A_338 : vector<2x2x128x256xf32>
    %slice3A_340 = vector.extract_strided_slice %reshape3A_301 {offsets = [0, 1, 0, 0, 0, 0], sizes = [2, 1, 2, 1, 128, 256], strides = [1, 1, 1, 1, 1, 1]} : vector<3x2x3x2x128x256xf32> to vector<2x1x2x1x128x256xf32>
    %squeeze3A_341 = vector.shape_cast %slice3A_340 : vector<2x1x2x1x128x256xf32> to vector<2x2x128x256xf32>
    %get3A_342 = arith.constant 0 : index
    %get3A_343 = arith.constant 3 : index
    %get3A_344 = arith.constant 0 : index
    %get3A_345 = arith.constant 0 : index
    %get3A_346 = vector.load %arg11[%get3A_342, %get3A_343, %get3A_344, %get3A_345] : memref<1x9x128x1xf32, #tpu.memory_space<vmem>>, vector<1x1x128x1xf32>
    %get3A_347 = vector.shape_cast %get3A_346 : vector<1x1x128x1xf32> to vector<128x1xf32>
    %broadcast_in_dim3A_348 = vector.shape_cast %get3A_347 : vector<128x1xf32> to vector<1x1x128x1xf32>
    %mul3A_349 = vector.broadcast %broadcast_in_dim3A_348 : vector<1x1x128x1xf32> to vector<2x2x128x256xf32>
    %mul3A_350 = arith.mulf %squeeze3A_341, %mul3A_349 : vector<2x2x128x256xf32>
    %add3A_351 = arith.addf %add3A_339, %mul3A_350 : vector<2x2x128x256xf32>
    %slice3A_352 = vector.extract_strided_slice %reshape3A_301 {offsets = [0, 1, 0, 1, 0, 0], sizes = [2, 1, 2, 1, 128, 256], strides = [1, 1, 1, 1, 1, 1]} : vector<3x2x3x2x128x256xf32> to vector<2x1x2x1x128x256xf32>
    %squeeze3A_353 = vector.shape_cast %slice3A_352 : vector<2x1x2x1x128x256xf32> to vector<2x2x128x256xf32>
    %get3A_354 = arith.constant 0 : index
    %get3A_355 = arith.constant 4 : index
    %get3A_356 = arith.constant 0 : index
    %get3A_357 = arith.constant 0 : index
    %get3A_358 = vector.load %arg11[%get3A_354, %get3A_355, %get3A_356, %get3A_357] : memref<1x9x128x1xf32, #tpu.memory_space<vmem>>, vector<1x1x128x1xf32>
    %get3A_359 = vector.shape_cast %get3A_358 : vector<1x1x128x1xf32> to vector<128x1xf32>
    %broadcast_in_dim3A_360 = vector.shape_cast %get3A_359 : vector<128x1xf32> to vector<1x1x128x1xf32>
    %mul3A_361 = vector.broadcast %broadcast_in_dim3A_360 : vector<1x1x128x1xf32> to vector<2x2x128x256xf32>
    %mul3A_362 = arith.mulf %squeeze3A_353, %mul3A_361 : vector<2x2x128x256xf32>
    %add3A_363 = arith.addf %add3A_351, %mul3A_362 : vector<2x2x128x256xf32>
    %slice3A_364 = vector.extract_strided_slice %reshape3A_301 {offsets = [0, 1, 1, 0, 0, 0], sizes = [2, 1, 2, 1, 128, 256], strides = [1, 1, 1, 1, 1, 1]} : vector<3x2x3x2x128x256xf32> to vector<2x1x2x1x128x256xf32>
    %squeeze3A_365 = vector.shape_cast %slice3A_364 : vector<2x1x2x1x128x256xf32> to vector<2x2x128x256xf32>
    %get3A_366 = arith.constant 0 : index
    %get3A_367 = arith.constant 5 : index
    %get3A_368 = arith.constant 0 : index
    %get3A_369 = arith.constant 0 : index
    %get3A_370 = vector.load %arg11[%get3A_366, %get3A_367, %get3A_368, %get3A_369] : memref<1x9x128x1xf32, #tpu.memory_space<vmem>>, vector<1x1x128x1xf32>
    %get3A_371 = vector.shape_cast %get3A_370 : vector<1x1x128x1xf32> to vector<128x1xf32>
    %broadcast_in_dim3A_372 = vector.shape_cast %get3A_371 : vector<128x1xf32> to vector<1x1x128x1xf32>
    %mul3A_373 = vector.broadcast %broadcast_in_dim3A_372 : vector<1x1x128x1xf32> to vector<2x2x128x256xf32>
    %mul3A_374 = arith.mulf %squeeze3A_365, %mul3A_373 : vector<2x2x128x256xf32>
    %add3A_375 = arith.addf %add3A_363, %mul3A_374 : vector<2x2x128x256xf32>
    %slice3A_376 = vector.extract_strided_slice %reshape3A_301 {offsets = [1, 0, 0, 0, 0, 0], sizes = [2, 1, 2, 1, 128, 256], strides = [1, 1, 1, 1, 1, 1]} : vector<3x2x3x2x128x256xf32> to vector<2x1x2x1x128x256xf32>
    %squeeze3A_377 = vector.shape_cast %slice3A_376 : vector<2x1x2x1x128x256xf32> to vector<2x2x128x256xf32>
    %get3A_378 = arith.constant 0 : index
    %get3A_379 = arith.constant 6 : index
    %get3A_380 = arith.constant 0 : index
    %get3A_381 = arith.constant 0 : index
    %get3A_382 = vector.load %arg11[%get3A_378, %get3A_379, %get3A_380, %get3A_381] : memref<1x9x128x1xf32, #tpu.memory_space<vmem>>, vector<1x1x128x1xf32>
    %get3A_383 = vector.shape_cast %get3A_382 : vector<1x1x128x1xf32> to vector<128x1xf32>
    %broadcast_in_dim3A_384 = vector.shape_cast %get3A_383 : vector<128x1xf32> to vector<1x1x128x1xf32>
    %mul3A_385 = vector.broadcast %broadcast_in_dim3A_384 : vector<1x1x128x1xf32> to vector<2x2x128x256xf32>
    %mul3A_386 = arith.mulf %squeeze3A_377, %mul3A_385 : vector<2x2x128x256xf32>
    %add3A_387 = arith.addf %add3A_375, %mul3A_386 : vector<2x2x128x256xf32>
    %slice3A_388 = vector.extract_strided_slice %reshape3A_301 {offsets = [1, 0, 0, 1, 0, 0], sizes = [2, 1, 2, 1, 128, 256], strides = [1, 1, 1, 1, 1, 1]} : vector<3x2x3x2x128x256xf32> to vector<2x1x2x1x128x256xf32>
    %squeeze3A_389 = vector.shape_cast %slice3A_388 : vector<2x1x2x1x128x256xf32> to vector<2x2x128x256xf32>
    %get3A_390 = arith.constant 0 : index
    %get3A_391 = arith.constant 7 : index
    %get3A_392 = arith.constant 0 : index
    %get3A_393 = arith.constant 0 : index
    %get3A_394 = vector.load %arg11[%get3A_390, %get3A_391, %get3A_392, %get3A_393] : memref<1x9x128x1xf32, #tpu.memory_space<vmem>>, vector<1x1x128x1xf32>
    %get3A_395 = vector.shape_cast %get3A_394 : vector<1x1x128x1xf32> to vector<128x1xf32>
    %broadcast_in_dim3A_396 = vector.shape_cast %get3A_395 : vector<128x1xf32> to vector<1x1x128x1xf32>
    %mul3A_397 = vector.broadcast %broadcast_in_dim3A_396 : vector<1x1x128x1xf32> to vector<2x2x128x256xf32>
    %mul3A_398 = arith.mulf %squeeze3A_389, %mul3A_397 : vector<2x2x128x256xf32>
    %add3A_399 = arith.addf %add3A_387, %mul3A_398 : vector<2x2x128x256xf32>
    %slice3A_400 = vector.extract_strided_slice %reshape3A_301 {offsets = [1, 0, 1, 0, 0, 0], sizes = [2, 1, 2, 1, 128, 256], strides = [1, 1, 1, 1, 1, 1]} : vector<3x2x3x2x128x256xf32> to vector<2x1x2x1x128x256xf32>
    %squeeze3A_401 = vector.shape_cast %slice3A_400 : vector<2x1x2x1x128x256xf32> to vector<2x2x128x256xf32>
    %get3A_402 = arith.constant 0 : index
    %get3A_403 = arith.constant 8 : index
    %get3A_404 = arith.constant 0 : index
    %get3A_405 = arith.constant 0 : index
    %get3A_406 = vector.load %arg11[%get3A_402, %get3A_403, %get3A_404, %get3A_405] : memref<1x9x128x1xf32, #tpu.memory_space<vmem>>, vector<1x1x128x1xf32>
    %get3A_407 = vector.shape_cast %get3A_406 : vector<1x1x128x1xf32> to vector<128x1xf32>
    %broadcast_in_dim3A_408 = vector.shape_cast %get3A_407 : vector<128x1xf32> to vector<1x1x128x1xf32>
    %mul3A_409 = vector.broadcast %broadcast_in_dim3A_408 : vector<1x1x128x1xf32> to vector<2x2x128x256xf32>
    %mul3A_410 = arith.mulf %squeeze3A_401, %mul3A_409 : vector<2x2x128x256xf32>
    %add3A_411 = arith.addf %add3A_399, %mul3A_410 : vector<2x2x128x256xf32>
    %get3A_412 = arith.constant 0 : index
    %get3A_413 = arith.constant 0 : index
    %get3A_414 = arith.constant 0 : index
    %get3A_415 = vector.load %arg12[%get3A_412, %get3A_413, %get3A_414] : memref<1x128x1xf32, #tpu.memory_space<vmem>>, vector<1x128x1xf32>
    %get3A_416 = vector.shape_cast %get3A_415 : vector<1x128x1xf32> to vector<128x1xf32>
    %broadcast_in_dim3A_417 = vector.shape_cast %get3A_416 : vector<128x1xf32> to vector<1x1x128x1xf32>
    %add3A_418 = vector.broadcast %broadcast_in_dim3A_417 : vector<1x1x128x1xf32> to vector<2x2x128x256xf32>
    %add3A_419 = arith.addf %add3A_411, %add3A_418 : vector<2x2x128x256xf32>
    %max3A_420 = arith.constant 0.000000e+00 : f32
    %max3A_421 = vector.broadcast %max3A_420 : f32 to vector<2x2x128x256xf32>
    %max3A_422 = arith.maximumf %add3A_419, %max3A_421 : vector<2x2x128x256xf32>
    %reshape3A_423 = vector.shape_cast %max3A_422 : vector<2x2x128x256xf32> to vector<4x128x256xf32>
    %get3A_424 = arith.constant 0 : index
    %get3A_425 = arith.constant 0 : index
    %get3A_426 = arith.constant 0 : index
    %get3A_427 = vector.load %arg13[%get3A_424, %get3A_425, %get3A_426] : memref<1x256x128xf32, #tpu.memory_space<vmem>>, vector<1x256x128xf32>
    %get3A_428 = vector.shape_cast %get3A_427 : vector<1x256x128xf32> to vector<256x128xf32>
    %get3A_429 = arith.constant 0 : index
    %get3A_430 = arith.constant 0 : index
    %get3A_431 = arith.constant 0 : index
    %get3A_432 = vector.load %arg14[%get3A_429, %get3A_430, %get3A_431] : memref<1x256x1xf32, #tpu.memory_space<vmem>>, vector<1x256x1xf32>
    %get3A_433 = vector.shape_cast %get3A_432 : vector<1x256x1xf32> to vector<256x1xf32>
    %broadcast_in_dim3A_434 = arith.constant 0.000000e+00 : f32
    %broadcast_in_dim3A_435 = vector.broadcast %broadcast_in_dim3A_434 : f32 to vector<256x256xf32>
    %slice3A_436 = vector.extract_strided_slice %reshape3A_423 {offsets = [0, 0, 0], sizes = [1, 128, 256], strides = [1, 1, 1]} : vector<4x128x256xf32> to vector<1x128x256xf32>
    %squeeze3A_437 = vector.shape_cast %slice3A_436 : vector<1x128x256xf32> to vector<128x256xf32>
    %dot_general3A_438 = arith.constant dense<0.000000e+00> : vector<256x256xf32>
    %dot_general3A_439 = tpu.matmul %get3A_428, %squeeze3A_437, %dot_general3A_438 {dimension_numbers = #tpu.dot_dimension_numbers<[1], [0], [0], [1], [0, 0, 1, 1], [], []>, transpose_lhs_hint = false} : vector<256x128xf32>, vector<128x256xf32>, vector<256x256xf32> -> vector<256x256xf32>
    %add3A_440 = vector.broadcast %get3A_433 : vector<256x1xf32> to vector<256x256xf32>
    %add3A_441 = arith.addf %dot_general3A_439, %add3A_440 : vector<256x256xf32>
    %max3A_442 = arith.constant 0.000000e+00 : f32
    %max3A_443 = vector.broadcast %max3A_442 : f32 to vector<256x256xf32>
    %max3A_444 = arith.maximumf %add3A_441, %max3A_443 : vector<256x256xf32>
    %add3A_445 = arith.addf %broadcast_in_dim3A_435, %max3A_444 : vector<256x256xf32>
    %slice3A_446 = vector.extract_strided_slice %reshape3A_423 {offsets = [1, 0, 0], sizes = [1, 128, 256], strides = [1, 1, 1]} : vector<4x128x256xf32> to vector<1x128x256xf32>
    %squeeze3A_447 = vector.shape_cast %slice3A_446 : vector<1x128x256xf32> to vector<128x256xf32>
    %dot_general3A_448 = arith.constant dense<0.000000e+00> : vector<256x256xf32>
    %dot_general3A_449 = tpu.matmul %get3A_428, %squeeze3A_447, %dot_general3A_448 {dimension_numbers = #tpu.dot_dimension_numbers<[1], [0], [0], [1], [0, 0, 1, 1], [], []>, transpose_lhs_hint = false} : vector<256x128xf32>, vector<128x256xf32>, vector<256x256xf32> -> vector<256x256xf32>
    %add3A_450 = vector.broadcast %get3A_433 : vector<256x1xf32> to vector<256x256xf32>
    %add3A_451 = arith.addf %dot_general3A_449, %add3A_450 : vector<256x256xf32>
    %max3A_452 = arith.constant 0.000000e+00 : f32
    %max3A_453 = vector.broadcast %max3A_452 : f32 to vector<256x256xf32>
    %max3A_454 = arith.maximumf %add3A_451, %max3A_453 : vector<256x256xf32>
    %add3A_455 = arith.addf %add3A_445, %max3A_454 : vector<256x256xf32>
    %slice3A_456 = vector.extract_strided_slice %reshape3A_423 {offsets = [2, 0, 0], sizes = [1, 128, 256], strides = [1, 1, 1]} : vector<4x128x256xf32> to vector<1x128x256xf32>
    %squeeze3A_457 = vector.shape_cast %slice3A_456 : vector<1x128x256xf32> to vector<128x256xf32>
    %dot_general3A_458 = arith.constant dense<0.000000e+00> : vector<256x256xf32>
    %dot_general3A_459 = tpu.matmul %get3A_428, %squeeze3A_457, %dot_general3A_458 {dimension_numbers = #tpu.dot_dimension_numbers<[1], [0], [0], [1], [0, 0, 1, 1], [], []>, transpose_lhs_hint = false} : vector<256x128xf32>, vector<128x256xf32>, vector<256x256xf32> -> vector<256x256xf32>
    %add3A_460 = vector.broadcast %get3A_433 : vector<256x1xf32> to vector<256x256xf32>
    %add3A_461 = arith.addf %dot_general3A_459, %add3A_460 : vector<256x256xf32>
    %max3A_462 = arith.constant 0.000000e+00 : f32
    %max3A_463 = vector.broadcast %max3A_462 : f32 to vector<256x256xf32>
    %max3A_464 = arith.maximumf %add3A_461, %max3A_463 : vector<256x256xf32>
    %add3A_465 = arith.addf %add3A_455, %max3A_464 : vector<256x256xf32>
    %slice3A_466 = vector.extract_strided_slice %reshape3A_423 {offsets = [3, 0, 0], sizes = [1, 128, 256], strides = [1, 1, 1]} : vector<4x128x256xf32> to vector<1x128x256xf32>
    %squeeze3A_467 = vector.shape_cast %slice3A_466 : vector<1x128x256xf32> to vector<128x256xf32>
    %dot_general3A_468 = arith.constant dense<0.000000e+00> : vector<256x256xf32>
    %dot_general3A_469 = tpu.matmul %get3A_428, %squeeze3A_467, %dot_general3A_468 {dimension_numbers = #tpu.dot_dimension_numbers<[1], [0], [0], [1], [0, 0, 1, 1], [], []>, transpose_lhs_hint = false} : vector<256x128xf32>, vector<128x256xf32>, vector<256x256xf32> -> vector<256x256xf32>
    %add3A_470 = vector.broadcast %get3A_433 : vector<256x1xf32> to vector<256x256xf32>
    %add3A_471 = arith.addf %dot_general3A_469, %add3A_470 : vector<256x256xf32>
    %max3A_472 = arith.constant 0.000000e+00 : f32
    %max3A_473 = vector.broadcast %max3A_472 : f32 to vector<256x256xf32>
    %max3A_474 = arith.maximumf %add3A_471, %max3A_473 : vector<256x256xf32>
    %add3A_475 = arith.addf %add3A_465, %max3A_474 : vector<256x256xf32>
    %mul3A_476 = arith.constant 2.500000e-01 : f32
    %mul3A_477 = vector.broadcast %mul3A_476 : f32 to vector<256x256xf32>
    %mul3A_478 = arith.mulf %add3A_475, %mul3A_477 : vector<256x256xf32>
    %get3A_479 = arith.constant 0 : index
    %get3A_480 = arith.constant 0 : index
    %get3A_481 = arith.constant 0 : index
    %get3A_482 = vector.load %arg15[%get3A_479, %get3A_480, %get3A_481] : memref<1x768x256xf32, #tpu.memory_space<vmem>>, vector<1x768x256xf32>
    %get3A_483 = vector.shape_cast %get3A_482 : vector<1x768x256xf32> to vector<768x256xf32>
    %convert_element_type3A_484 = arith.truncf %get3A_483 : vector<768x256xf32> to vector<768x256xbf16>
    %convert_element_type3A_485 = arith.truncf %mul3A_478 : vector<256x256xf32> to vector<256x256xbf16>
    %dot_general3A_486 = arith.constant dense<0.000000e+00> : vector<768x256xf32>
    %dot_general3A_487 = tpu.matmul %convert_element_type3A_484, %convert_element_type3A_485, %dot_general3A_486 {dimension_numbers = #tpu.dot_dimension_numbers<[1], [0], [0], [1], [0, 0, 1, 1], [], []>, transpose_lhs_hint = false} : vector<768x256xbf16>, vector<256x256xbf16>, vector<768x256xf32> -> vector<768x256xf32>
    %get3A_488 = arith.constant 0 : index
    %get3A_489 = arith.constant 0 : index
    %get3A_490 = arith.constant 0 : index
    %get3A_491 = vector.load %arg16[%get3A_488, %get3A_489, %get3A_490] : memref<1x768x768xf32, #tpu.memory_space<vmem>>, vector<1x768x768xf32>
    %get3A_492 = vector.shape_cast %get3A_491 : vector<1x768x768xf32> to vector<768x768xf32>
    %convert_element_type3A_493 = arith.truncf %get3A_492 : vector<768x768xf32> to vector<768x768xbf16>
    %convert_element_type3A_494 = arith.truncf %transpose3A : vector<768x256xf32> to vector<768x256xbf16>
    %dot_general3A_495 = arith.constant dense<0.000000e+00> : vector<768x256xf32>
    %dot_general3A_496 = tpu.matmul %convert_element_type3A_493, %convert_element_type3A_494, %dot_general3A_495 {dimension_numbers = #tpu.dot_dimension_numbers<[1], [0], [0], [1], [0, 0, 1, 1], [], []>, transpose_lhs_hint = false} : vector<768x768xbf16>, vector<768x256xbf16>, vector<768x256xf32> -> vector<768x256xf32>
    %add3A_497 = arith.addf %dot_general3A_487, %dot_general3A_496 : vector<768x256xf32>
    %get3A_498 = arith.constant 0 : index
    %get3A_499 = arith.constant 0 : index
    %get3A_500 = arith.constant 0 : index
    %get3A_501 = vector.load %arg17[%get3A_498, %get3A_499, %get3A_500] : memref<1x768x1xf32, #tpu.memory_space<vmem>>, vector<1x768x1xf32>
    %get3A_502 = vector.shape_cast %get3A_501 : vector<1x768x1xf32> to vector<768x1xf32>
    %add3A_503 = vector.broadcast %get3A_502 : vector<768x1xf32> to vector<768x256xf32>
    %add3A_504 = arith.addf %add3A_497, %add3A_503 : vector<768x256xf32>
    %get3A_505 = arith.constant 0 : index
    %get3A_506 = arith.constant 0 : index
    %get3A_507 = vector.load %arg18[%get3A_505, %get3A_506] : memref<256x768xf32, #tpu.memory_space<vmem>>, vector<256x768xf32>
    %convert_element_type3A_508 = arith.truncf %get3A_507 : vector<256x768xf32> to vector<256x768xbf16>
    %convert_element_type3A_509 = arith.truncf %add3A_504 : vector<768x256xf32> to vector<768x256xbf16>
    %dot_general3A_510 = arith.constant dense<0.000000e+00> : vector<256x256xf32>
    %dot_general3A_511 = tpu.matmul %convert_element_type3A_508, %convert_element_type3A_509, %dot_general3A_510 {dimension_numbers = #tpu.dot_dimension_numbers<[1], [0], [0], [1], [0, 0, 1, 1], [], []>, transpose_lhs_hint = false} : vector<256x768xbf16>, vector<768x256xbf16>, vector<256x256xf32> -> vector<256x256xf32>
    %get3A_512 = arith.constant 0 : index
    %get3A_513 = arith.constant 0 : index
    %get3A_514 = vector.load %arg19[%get3A_512, %get3A_513] : memref<256x1xf32, #tpu.memory_space<vmem>>, vector<256x1xf32>
    %add3A_515 = vector.broadcast %get3A_514 : vector<256x1xf32> to vector<256x256xf32>
    %add3A_516 = arith.addf %dot_general3A_511, %add3A_515 : vector<256x256xf32>
    %transpose3A_517 = tpu.transpose %add3A_516, [1, 0] : vector<256x256xf32> -> vector<256x256xf32>
    %swap3A = arith.constant 0 : index
    %swap3A_518 = arith.constant 0 : index
    %swap3A_519 = vector.load %arg20[%swap3A, %swap3A_518] : memref<256x256xf32, #tpu.memory_space<vmem>>, vector<256x256xf32>
    tpu.vector_store %arg20[%swap3A, %swap3A_518], %transpose3A_517 {strides = array<i32>} : memref<256x256xf32, #tpu.memory_space<vmem>>, vector<256x256xf32>,
    return
  }
  func.func @transform_0(%arg0: i32, %arg1: memref<25xi32, #tpu.memory_space<smem>>) -> (i32, i32) {
    %c0_i32 = arith.constant 0 : i32
    %c0_i32_0 = arith.constant 0 : i32
    return %arg0, %c0_i32 : i32, i32
  }
  func.func @transform_1(%arg0: i32, %arg1: memref<25xi32, #tpu.memory_space<smem>>) -> (i32, i32, i32) {
    %get3A = arith.index_cast %arg0 : i32 to index
    %get3A_0 = memref.load %arg1[%get3A] : memref<25xi32, #tpu.memory_space<smem>>
    %c0_i32 = arith.constant 0 : i32
    %c0_i32_1 = arith.constant 0 : i32
    %c0_i32_2 = arith.constant 0 : i32
    return %get3A_0, %c0_i32, %c0_i32_1 : i32, i32, i32
  }
  func.func @transform_2(%arg0: i32, %arg1: memref<25xi32, #tpu.memory_space<smem>>) -> (i32, i32, i32) {
    %get3A = arith.index_cast %arg0 : i32 to index
    %get3A_0 = memref.load %arg1[%get3A] : memref<25xi32, #tpu.memory_space<smem>>
    %c0_i32 = arith.constant 0 : i32
    %c0_i32_1 = arith.constant 0 : i32
    %c0_i32_2 = arith.constant 0 : i32
    return %get3A_0, %c0_i32, %c0_i32_1 : i32, i32, i32
  }
  func.func @transform_3(%arg0: i32, %arg1: memref<25xi32, #tpu.memory_space<smem>>) -> (i32, i32, i32, i32) {
    %get3A = arith.index_cast %arg0 : i32 to index
    %get3A_0 = memref.load %arg1[%get3A] : memref<25xi32, #tpu.memory_space<smem>>
    %c0_i32 = arith.constant 0 : i32
    %c0_i32_1 = arith.constant 0 : i32
    %c0_i32_2 = arith.constant 0 : i32
    %c0_i32_3 = arith.constant 0 : i32
    return %get3A_0, %c0_i32, %c0_i32_1, %c0_i32_2 : i32, i32, i32, i32
  }
  func.func @transform_4(%arg0: i32, %arg1: memref<25xi32, #tpu.memory_space<smem>>) -> (i32, i32, i32) {
    %get3A = arith.index_cast %arg0 : i32 to index
    %get3A_0 = memref.load %arg1[%get3A] : memref<25xi32, #tpu.memory_space<smem>>
    %c0_i32 = arith.constant 0 : i32
    %c0_i32_1 = arith.constant 0 : i32
    %c0_i32_2 = arith.constant 0 : i32
    return %get3A_0, %c0_i32, %c0_i32_1 : i32, i32, i32
  }
  func.func @transform_5(%arg0: i32, %arg1: memref<25xi32, #tpu.memory_space<smem>>) -> (i32, i32, i32, i32) {
    %get3A = arith.index_cast %arg0 : i32 to index
    %get3A_0 = memref.load %arg1[%get3A] : memref<25xi32, #tpu.memory_space<smem>>
    %c0_i32 = arith.constant 0 : i32
    %c0_i32_1 = arith.constant 0 : i32
    %c0_i32_2 = arith.constant 0 : i32
    %c0_i32_3 = arith.constant 0 : i32
    return %get3A_0, %c0_i32, %c0_i32_1, %c0_i32_2 : i32, i32, i32, i32
  }
  func.func @transform_6(%arg0: i32, %arg1: memref<25xi32, #tpu.memory_space<smem>>) -> (i32, i32, i32) {
    %get3A = arith.index_cast %arg0 : i32 to index
    %get3A_0 = memref.load %arg1[%get3A] : memref<25xi32, #tpu.memory_space<smem>>
    %c0_i32 = arith.constant 0 : i32
    %c0_i32_1 = arith.constant 0 : i32
    %c0_i32_2 = arith.constant 0 : i32
    return %get3A_0, %c0_i32, %c0_i32_1 : i32, i32, i32
  }
  func.func @transform_7(%arg0: i32, %arg1: memref<25xi32, #tpu.memory_space<smem>>) -> (i32, i32, i32) {
    %get3A = arith.index_cast %arg0 : i32 to index
    %get3A_0 = memref.load %arg1[%get3A] : memref<25xi32, #tpu.memory_space<smem>>
    %c0_i32 = arith.constant 0 : i32
    %c0_i32_1 = arith.constant 0 : i32
    %c0_i32_2 = arith.constant 0 : i32
    return %get3A_0, %c0_i32, %c0_i32_1 : i32, i32, i32
  }
  func.func @transform_8(%arg0: i32, %arg1: memref<25xi32, #tpu.memory_space<smem>>) -> (i32, i32, i32) {
    %get3A = arith.index_cast %arg0 : i32 to index
    %get3A_0 = memref.load %arg1[%get3A] : memref<25xi32, #tpu.memory_space<smem>>
    %c0_i32 = arith.constant 0 : i32
    %c0_i32_1 = arith.constant 0 : i32
    %c0_i32_2 = arith.constant 0 : i32
    return %get3A_0, %c0_i32, %c0_i32_1 : i32, i32, i32
  }
  func.func @transform_9(%arg0: i32, %arg1: memref<25xi32, #tpu.memory_space<smem>>) -> (i32, i32, i32, i32) {
    %get3A = arith.index_cast %arg0 : i32 to index
    %get3A_0 = memref.load %arg1[%get3A] : memref<25xi32, #tpu.memory_space<smem>>
    %c0_i32 = arith.constant 0 : i32
    %c0_i32_1 = arith.constant 0 : i32
    %c0_i32_2 = arith.constant 0 : i32
    %c0_i32_3 = arith.constant 0 : i32
    return %get3A_0, %c0_i32, %c0_i32_1, %c0_i32_2 : i32, i32, i32, i32
  }
  func.func @transform_10(%arg0: i32, %arg1: memref<25xi32, #tpu.memory_space<smem>>) -> (i32, i32, i32) {
    %get3A = arith.index_cast %arg0 : i32 to index
    %get3A_0 = memref.load %arg1[%get3A] : memref<25xi32, #tpu.memory_space<smem>>
    %c0_i32 = arith.constant 0 : i32
    %c0_i32_1 = arith.constant 0 : i32
    %c0_i32_2 = arith.constant 0 : i32
    return %get3A_0, %c0_i32, %c0_i32_1 : i32, i32, i32
  }
  func.func @transform_11(%arg0: i32, %arg1: memref<25xi32, #tpu.memory_space<smem>>) -> (i32, i32, i32) {
    %get3A = arith.index_cast %arg0 : i32 to index
    %get3A_0 = memref.load %arg1[%get3A] : memref<25xi32, #tpu.memory_space<smem>>
    %c0_i32 = arith.constant 0 : i32
    %c0_i32_1 = arith.constant 0 : i32
    %c0_i32_2 = arith.constant 0 : i32
    return %get3A_0, %c0_i32, %c0_i32_1 : i32, i32, i32
  }
  func.func @transform_12(%arg0: i32, %arg1: memref<25xi32, #tpu.memory_space<smem>>) -> (i32, i32, i32) {
    %get3A = arith.index_cast %arg0 : i32 to index
    %get3A_0 = memref.load %arg1[%get3A] : memref<25xi32, #tpu.memory_space<smem>>
    %c0_i32 = arith.constant 0 : i32
    %c0_i32_1 = arith.constant 0 : i32
    %c0_i32_2 = arith.constant 0 : i32
    return %get3A_0, %c0_i32, %c0_i32_1 : i32, i32, i32
  }
  func.func @transform_13(%arg0: i32, %arg1: memref<25xi32, #tpu.memory_space<smem>>) -> (i32, i32, i32) {
    %get3A = arith.index_cast %arg0 : i32 to index
    %get3A_0 = memref.load %arg1[%get3A] : memref<25xi32, #tpu.memory_space<smem>>
    %c0_i32 = arith.constant 0 : i32
    %c0_i32_1 = arith.constant 0 : i32
    %c0_i32_2 = arith.constant 0 : i32
    return %get3A_0, %c0_i32, %c0_i32_1 : i32, i32, i32
  }
  func.func @transform_14(%arg0: i32, %arg1: memref<25xi32, #tpu.memory_space<smem>>) -> (i32, i32, i32) {
    %get3A = arith.index_cast %arg0 : i32 to index
    %get3A_0 = memref.load %arg1[%get3A] : memref<25xi32, #tpu.memory_space<smem>>
    %c0_i32 = arith.constant 0 : i32
    %c0_i32_1 = arith.constant 0 : i32
    %c0_i32_2 = arith.constant 0 : i32
    return %get3A_0, %c0_i32, %c0_i32_1 : i32, i32, i32
  }
  func.func @transform_15(%arg0: i32, %arg1: memref<25xi32, #tpu.memory_space<smem>>) -> (i32, i32, i32) {
    %get3A = arith.index_cast %arg0 : i32 to index
    %get3A_0 = memref.load %arg1[%get3A] : memref<25xi32, #tpu.memory_space<smem>>
    %c0_i32 = arith.constant 0 : i32
    %c0_i32_1 = arith.constant 0 : i32
    %c0_i32_2 = arith.constant 0 : i32
    return %get3A_0, %c0_i32, %c0_i32_1 : i32, i32, i32
  }
  func.func @transform_16(%arg0: i32, %arg1: memref<25xi32, #tpu.memory_space<smem>>) -> (i32, i32) {
    %c0_i32 = arith.constant 0 : i32
    %c0_i32_0 = arith.constant 0 : i32
    %c0_i32_1 = arith.constant 0 : i32
    return %c0_i32, %c0_i32_0 : i32, i32
  }
  func.func @transform_17(%arg0: i32, %arg1: memref<25xi32, #tpu.memory_space<smem>>) -> (i32, i32) {
    %c0_i32 = arith.constant 0 : i32
    %c0_i32_0 = arith.constant 0 : i32
    %c0_i32_1 = arith.constant 0 : i32
    return %c0_i32, %c0_i32_0 : i32, i32
  }
  func.func @transform_18(%arg0: i32, %arg1: memref<25xi32, #tpu.memory_space<smem>>) -> (i32, i32) {
    %c0_i32 = arith.constant 0 : i32
    %c0_i32_0 = arith.constant 0 : i32
    return %arg0, %c0_i32 : i32, i32
  }
}

</mosaic_0001>

<sc_bundles>
// kernel: gather_offload_async_start.1
scs
__scs_entry_jumppad:
0x0: {  	(pc) =	sbr.rel $0x88, $3  }
0x1: {  	(tag) =	ssettag $0x0;
	lr =	simm.s32 $0x1  }
0x2: {  	[smem:$0x3F8C] =	sst lr;
	_ =	strace $0xD0000000  }
0x3: {  	_ = 	snop  }
0x4: {  	_ = 	snop  }
0x5: {  	_ = 	snop  }
0x6: {  	_ = 	snop  }
0x7: {  	_ = 	snop  }
__scs_overlays_trampoline_lowered:
0x8: {  	[smem:$0x3F9B] =	sst s0  }
0x9: {  	[smem:$0x3F9C] =	sst s1  }
0xa: {  	[smem:$0x3F9D] =	sst s2  }
0xb: {  	[smem:$0x3F9E] =	sst s3  }
0xc: {  	[smem:$0x3F9F] =	sst s4  }
0xd: {  	[smem:$0x3FA0] =	sst s5  }
0xe: {  	[smem:$0x3FA1] =	sst s6  }
0xf: {  	[smem:$0x3FA2] =	sst s7  }
0x10: {  	[smem:$0x3FA3] =	sst s8  }
0x11: {  	[smem:$0x3FA4] =	sst s9;
	s0 =	simm.s32 @!p0 $0x0  }
0x12: {  	s1 =	sld [smem:$0x3F8A];
	s0 =	simm.s32 @p0 $0x1  }
0x13: {  	[smem:$0x3FA5] =	sst s0;
	s0 =	simm.s32 @!p1 $0x0  }
0x14: {  	s2 =	sld [smem:$0x3F89];
	s0 =	simm.s32 @p1 $0x1  }
0x15: {  	[smem:$0x3FA6] =	sst s0;
	s0 =	simm.s32 @!p2 $0x0  }
0x16: {  	s3 =	sld [smem:$0x3FDB];
	s0 =	simm.s32 @p2 $0x1  }
0x17: {  	s4 =	simm.s32 $0x1BF5;
	[smem:$0x3FA8] =	sst s0  }
0x18: {  	s0 =	sld [smem:$0x3F8B];
	_ =	swait.ge [sflag:s4], $0x0  }
0x19: {  	s7 =	sld [smem:$0x3F8C]  }
0x1a: {  	s8 =	sadd.s32 $0xFFFFE003, lr  }
0x1b: {  	s9 =	sadd.s32 $0xFFFFFEF7, lr;
	s5 =	simm.s32 $0xFFFFFFFF;
	p2 =	slt.u32 s8, $0xFFFFF086  }
0x1c: {  	p1 =	slt.u32 s9, $0xF7A;
	s5 =	simm.s32 @!p2 $0x0  }
0x1d: {  	s5 =	simm.s32 @p1 $0x1;
	p0 =	seq.s32 s7, s2  }
0x1e: {  	s7 =	smul.u32 @!p0 $0xF7A, s2;
	p2 =	seq.s32 @!p0 s5, $0x0  }
0x1f: {  	s9 =	smul.u32 $0xF7A, s1;
	s8 =	simm.s32 @!p0 $0x1BF5;
	p2 =	por !p2, p0  }
0x20: {  	[sflag:s8] =	ssyncset.s32 @!p0 $0xFFFFF086;
	s6 =	sadd.s32 @!p0 s3, s7;
	s7 =	simm.s32 @!p0 $0x108  }
0x21: {  	s3 =	sadd.s32 s3, s9;
	s6 =	sadd.s32 @!p0 $0x88, s6;
	s7 =	simm.s32 @p2 $0x1082  }
0x22: {  	[simem:s7], [sflag:s8] =	dma.local @!p0 [hbm:s6], $0xF7A  }
0x23: {  	s9 =	sor.u32 $0xD0000000, s2;
	s6 =	simm.s32 $0x108;
	_ =	swait.ge @!p0 [sflag:s8], $0x0  }
0x24: {  	s3 =	sadd.s32 $0x88, s3;
	s6 =	simm.s32 @!p1 $0x1082;
	[sflag:s4] =	ssyncset.s32 $0xFFFFF086  }
0x25: {  	[simem:s6], [sflag:s4] =	dma.local [hbm:s3], $0xF7A  }
0x26: {  	[smem:$0x3F8C] =	sst s1;
	(tag) =	ssettag s2;
	_ =	strace s9  }
0x27: {  	s1 =	sld [smem:$0x3F9C]  }
0x28: {  	s2 =	sld [smem:$0x3F9D]  }
0x29: {  	s4 =	sld [smem:$0x3F9F]  }
0x2a: {  	p0 =	seq.s32 s5, $0x0;
	s5 =	sld [smem:$0x3FA0]  }
0x2b: {  	s6 =	sld [smem:$0x3FA1]  }
0x2c: {  	s7 =	sld [smem:$0x3FA2]  }
0x2d: {  	s3 =	simm.s32 $0x108;
	s8 =	sld [smem:$0x3FA3]  }
0x2e: {  	s3 =	simm.s32 @!p0 $0x1082;
	s9 =	sld [smem:$0x3FA4]  }
0x2f: {  	lr =	sadd.s32 s0, s3;
	s0 =	sld [smem:$0x3F9B]  }
0x30: {  	s3 =	sld [smem:$0x3F9E]  }
0x31: {  	[smem:$0x3FA7] =	sst s10  }
0x32: {  	s10 =	sld [smem:$0x3FA5];
	_ =	sdelay $0x3  }
0x33: {  	p0 =	seq.s32 s10, $0x1;
	s10 =	sld [smem:$0x3FA7];
	_ =	sdelay $0x3  }
0x34: {  	[smem:$0x3FA7] =	sst s10  }
0x35: {  	s10 =	sld [smem:$0x3FA6];
	_ =	sdelay $0x3  }
0x36: {  	p1 =	seq.s32 s10, $0x1;
	s10 =	sld [smem:$0x3FA7];
	_ =	sdelay $0x3  }
0x37: {  	[smem:$0x3FA7] =	sst s10  }
0x38: {  	s10 =	sld [smem:$0x3FA8]  }
0x39: {  	_ = 	snop;
	(pc) =	sbr.ind lr, $3  }
0x3a: {  	_ = 	snop  }
0x3b: {  	_ = 	snop  }
0x3c: {  	p2 =	seq.s32 s10, $0x1;
	s10 =	sld [smem:$0x3FA7]  }
0x3d: {  	_ =	shalt  }
0x3e: {  	_ =	shalt  }
0x3f: {  	_ =	shalt  }
0x40: {  	_ =	shalt  }
0x41: {  	_ =	shalt  }
0x42: {  	_ =	shalt  }
0x43: {  	_ =	shalt  }
0x44: {  	_ =	shalt  }
0x45: {  	_ =	shalt  }
0x46: {  	_ =	shalt  }
0x47: {  	_ =	shalt  }
0x48: {  	_ =	shalt  }
0x49: {  	_ =	shalt  }
0x4a: {  	_ =	shalt  }
0x4b: {  	_ =	shalt  }
0x4c: {  	_ =	shalt  }
0x4d: {  	_ =	shalt  }
0x4e: {  	_ =	shalt  }
0x4f: {  	_ =	shalt  }
0x50: {  	_ =	shalt  }
0x51: {  	_ =	shalt  }
0x52: {  	_ =	shalt  }
0x53: {  	_ =	shalt  }
0x54: {  	_ =	shalt  }
0x55: {  	_ =	shalt  }
0x56: {  	_ =	shalt  }
0x57: {  	_ =	shalt  }
0x58: {  	_ =	shalt  }
0x59: {  	_ =	shalt  }
0x5a: {  	_ =	shalt  }
0x5b: {  	_ =	shalt  }
0x5c: {  	_ =	shalt  }
0x5d: {  	_ =	shalt  }
0x5e: {  	_ =	shalt  }
0x5f: {  	_ =	shalt  }
0x60: {  	_ =	shalt  }
0x61: {  	_ =	shalt  }
0x62: {  	_ =	shalt  }
0x63: {  	_ =	shalt  }
0x64: {  	_ =	shalt  }
0x65: {  	_ =	shalt  }
0x66: {  	_ =	shalt  }
0x67: {  	_ =	shalt  }
0x68: {  	_ =	shalt  }
0x69: {  	_ =	shalt  }
0x6a: {  	_ =	shalt  }
0x6b: {  	_ =	shalt  }
0x6c: {  	_ =	shalt  }
0x6d: {  	_ =	shalt  }
0x6e: {  	_ =	shalt  }
0x6f: {  	_ =	shalt  }
0x70: {  	_ =	shalt  }
0x71: {  	_ =	shalt  }
0x72: {  	_ =	shalt  }
0x73: {  	_ =	shalt  }
0x74: {  	_ =	shalt  }
0x75: {  	_ =	shalt  }
0x76: {  	_ =	shalt  }
0x77: {  	_ =	shalt  }
0x78: {  	_ =	shalt  }
0x79: {  	_ =	shalt  }
0x7a: {  	_ =	shalt  }
0x7b: {  	_ =	shalt  }
0x7c: {  	_ =	shalt  }
0x7d: {  	_ =	shalt  }
0x7e: {  	_ =	shalt  }
0x7f: {  	_ =	shalt  }
0x80: {  	_ =	shalt  }
0x81: {  	_ =	shalt  }
0x82: {  	_ =	shalt  }
0x83: {  	_ =	shalt  }
0x84: {  	_ =	shalt  }
0x85: {  	_ =	shalt  }
0x86: {  	_ =	shalt  }
0x87: {  	_ =	shalt  }
.Lfunc_end0:
.L_simem_size_0:
called_computation.1_lowered:
.L_overlay_start_0:
0x88: {  	s2 =	sld [smem:$0x3FD9]  }
0x89: {  	s3 =	sld [smem:$0x3FFE];
	_ =	sdelay $0x1  }
0x8a: {  	s1 =	srdreg.scid  }
0x8b: {  	s0 =	sand.u32 $0x1, s1  }
0x8c: {  	s16 =	sshll.u32 s0, $0xA;
	s2 =	sadd.s32 s3, s2  }
0x8d: {  	s2 =	sadd.s32 s2, s16  }
0x8e: {  	[smem:$0x3FB3] =	sst s2  }
0x8f: {  	_ = 	snop  }
0x90: {  	(tm) =	ssettm $0x1  }
0x91: {  	s17 =	sld [smem:$0x3FFB];
	_ =	sdelay $0x3  }
0x92: {  	_ =	strace s17  }
0x93: {  	s2 =	sld [smem:$0x3FFC];
	_ =	sdelay $0x3  }
0x94: {  	_ =	strace s2  }
0x95: {  	s2 =	sld [smem:$0x3FFD];
	_ =	sdelay $0x3  }
0x96: {  	_ =	strace s2  }
0x97: {  	_ =	strace $0x8FFFFFFF  }
0x98: {  	s18 =	sld [smem:$0x3FDB];
	_ =	sdelay $0x1  }
0x99: {  	s19 =	simm.s32 $_scs_section_size  }
0x9a: {  	s4 =	simm.s32 $_size__tile_overlayer_lowered;
	s5 =	simm.s32 $_tile_overlayer_lowered  }
0x9b: {  	s22 =	simm.s32 $0x1BFF;
	s21 =	sshll.u32 s5, $0x1;
	s2 =	sadd.s32 s19, s18  }
0x9c: {  	s6 =	simm.s32 $0x0;
	s20 =	sshll.u32 s4, $0x1;
	s4 =	sadd.s32 s21, s2  }
0x9d: {  	[timem:s6], [sflag:s22] =	dma.local [hbm:s4], s20  }
0x9e: {  	_ =	swait.ge [sflag:s22], s20  }
0x9f: {  	s3 =	ssub.s32 $0x0, s20;
	[sflag:s22] =	ssyncset.done $0x0  }
0xa0: {  	[sflag:s22] =	ssyncadd.s32 s3;
	_ =	sdelay $0x1  }
0xa1: {  	s23 =	simm.s32 $0x1B8B  }
0xa2: {  	_ =	swait.ge [sflag:s23], $0x1  }
0xa3: {  	[sflag:s23] =	ssyncset.done $0x0  }
0xa4: {  	s25 =	simm.s32 $0x1B8E;
	s24 =	sld [smem:$0x3FFE];
	[sflag:s23] =	ssyncadd.s32 $0xFFFFFFFF  }
0xa5: {  	s26 =	simm.s32 $execute0_lowered;
	[smem:$0x3FD2] =	sst s25  }
0xa6: {  	s4 =	sshll.u32 s26, $0x1;
	_ =	strace $0x80000046;
	[dreg:$0x1] =	wrdreg $0xFFFFFFFF  }
0xa7: {  	s28 =	simm.s32 $_size_execute0_lowered;
	s2 =	sadd.s32 s2, s4;
	[dreg:$0x0] =	wrdreg $0x0  }
0xa8: {  	s4 =	sshll.u32 s28, $0x1;
	[dreg:$0x2] =	wrdreg s2  }
0xa9: {  	[dreg:$0x3] =	wrdreg s4  }
0xaa: {  	[dreg:$0x4] =	wrdreg $0xC0  }
0xab: {  	_ =	task [dreg:s6], $0x5FFFF  }
0xac: {  	[dreg:$0x1] =	wrdreg $0xFFFFFFFF  }
0xad: {  	[dreg:$0x0] =	wrdreg $0x60  }
0xae: {  	[dreg:$0x2] =	wrdreg s24  }
0xaf: {  	[dreg:$0x3] =	wrdreg $0xA  }
0xb0: {  	_ =	task.clear_ibuf [dreg:s6], $0x4FFFF;
	_ =	strace $0x90000046  }
0xb1: {  	s29 =	simm.s32 $0xA;
	_ =	strace $0x80000048  }
0xb2: {  	_ =	swait.ge [sflag:s29], $0x1  }
0xb3: {  	[sflag:s29] =	ssyncadd.s32 $0xFFFFFFFF  }
0xb4: {  	_ =	strace $0x90000048  }
0xb5: {  	_ =	sfence  }
0xb6: {  	s30 =	sld [smem:$0x0];
	_ =	sdelay $0x2  }
0xb7: {  	s31 =	sshll.u32 s1, $0xD;
	s1 =	sshrl.u32 s1, $0x2  }
0xb8: {  	s3 =	sand.u32 $0x4000, s31;
	s1 =	sadd.s32 s1, s30  }
0xb9: {  	s0 =	sor.u32 s3, s0;
	s1 =	sshll.u32 s1, $0x11  }
0xba: {  	s0 =	sor.u32 s1, s0  }
0xbb: {  	s0 =	sadd.s32 $0x8F2B, s0  }
0xbc: {  	[sflag:s0] =	ssyncadd.remote.s32 $0x1  }
0xbd: {  	_ =	sfence.sel $0xFFFF  }
0xbe: {  	[dreg:$0x0] =	wrdreg $0xFFFFFFFF;
	(pc) =	sbr.abs _section_cstart, $3  }
0xbf: {  	[dreg:$0x1] =	wrdreg $0xFFFFFFFF  }
0xc0: {  	_ =	task.clear_ibuf [dreg:s6], $0x2FFFF;
	_ =	strace $0x9FFFFFFF  }
0xc1: {  	(tm) =	ssettm $0x7FFFFFFF  }
tec
execute0_lowered:
.L_overlay_start_1:
0x0: {  	(tag) =	ssettag $0x1  }
0x1: {  	s0 =	srdreg.scid  }
0x2: {  	s1 =	sshll.u32 s0, $0x4  }
0x3: {  	s0 =	stileid.u32;
	s1 =	sand.u32 $0x10, s1  }
0x4: {  	s1 =	sor.u32 s0, s1  }
0x5: {  	s9 =	rddreg [dreg:$0x0];
	s6 =	simm.s32 $0x1;
	s2 =	smin.u32 s1, $0x4  }
0x6: {  	p0 =	slt.u32 s1, $0x4;
	s2 =	sadd.s32 s1, s2;
	s1 =	simm.s32 $0x80  }
0x7: {  	s7 =	simm.s32 $0x2;
	s2 =	sshll.u32 s2, $0x6;
	s1 =	simm.s32 @!p0 $0x40  }
0x8: {  	s10 =	simm.s32 $0x3;
	s13 =	simm.s32 $0x0;
	s3 =	sadd.s32 s1, s2  }
0x9: {  	s12 =	simm.s32 $0x0;
	s4 =	sadd.s32 $0x97200, s9;
	s3 =	smin.u32 s3, $0x900  }
.Ltmp0:
0xa: {  	s5 =	sadd.s32 $0x96E00, s9;
	s8 =	ssub.s32 s3, s2;
	(pc) =	sbr.rel .LBB2_1-.Ltmp0, $4  }
0xb: {  	s1 =	rddreg [dreg:$0x1];
	_ =	strace $0x80000047;
	p0 =	sgt.s32 s8, $0x0  }
0xc: {  	s9 =	sadd.s32 $0xE00, s9;
	[sflag:s6] =	ssyncpa.u1 $0x0;
	s8 =	simm.s32 @!p0 $0x0  }
0xd: {  	s11 =	smov.u32 s2;
	[sflag:s7] =	ssyncpa.u1 $0x0;
	s8 =	sshrl.u32 s8, $0x6  }
0xe: {  	vm0 =	vmmov $0xff;
	vm1 =	vcmask $0x3F20;
	[sflag:s10] =	ssyncpa.u1 $0x0;
	p0 =	por $0x0, $0x0;
	s10 =	sadd.s32 $0x1, s8  }
.LBB2_8:
0xf: {  	[hbm:s17] =	stream.linear.scatter [tilespmem:s14], [sflag:$0x3], $0x800, $0x38;
	[tilespmem:$0x8080] =	vst v63  }
.LBB2_9:
0x10: {  	s13 =	sadd.s32 $0x40, s11  }
0x11: {  	s15 =	smov.u32 s2;
	p2 =	slt.s32 s13, s3  }
0x12: {  	s15 =	smov.u32 @p2 s13;
	p2 =	sne.s32 s12, s10  }
.Ltmp1:
0x13: {  	p1 =	slt.u32 s12, $0x2;
	(pc) =	sbr.rel @!p2 .LBB2_10-.Ltmp1, $4  }
0x14: {  	s14 =	simm.s32 @!p1 $0x3  }
0x15: {  	s16 =	sadd.s32 $0x1, s12;
	_ =	swait.ge @!p1 [sflag:s14], $0x4000  }
0x16: {  	p0 =	por !p0, !p0;
	s13 =	smov.u32 s11;
	[sflag:s14] =	ssyncset.done @!p1 $0x0  }
0x17: {  	s12 =	smov.u32 s16;
	s11 =	smov.u32 s15;
	[sflag:s14] =	ssyncadd.s32 @!p1 $0xFFFFC000  }
.LBB2_1:
0x18: {  	p1 =	sge.u32 s12, s8  }
0x19: {  	s14 =	sxor.u32 @!p1 $0xFFFFFFFF, s12  }
0x1a: {  	s31 =	sadd.s32 $0xFFFFFFFF, s12;
	s15 =	sshrl.u32 @!p1 s11, $0x3;
	s14 =	sshll.u32 @!p1 s14, $0x6  }
0x1b: {  	s16 =	sand.u32 @!p1 $0x7, s11;
	s15 =	sadd.s32 @!p1 s5, s15;
	s14 =	sand.u32 @!p1 $0x40, s14  }
0x1c: {  	[tilespmem:s14], [sflag:$0x2] =	stream.linear.gather @!p1 [hbm4b:s15+s16], $0x40, $0x38;
	[tilespmem:$0x8080] =	vst v63  }
0x1d: {  	p1 =	sge.u32 s31, s8  }
.Ltmp2:
0x1e: {  	_ = 	snop;
	(pc) =	sbr.rel @p1 .LBB2_9-.Ltmp2, $1  }
0x1f: {  	_ =	sdelay $0x3  }
0x20: {  	s14 =	simm.s32 $0x1;
	_ =	swait.ge [sflag:s7], $0x40;
	s15 =	sand.u32 $0x1, s12  }
0x21: {  	s17 =	simm.s32 $0x0;
	s14 =	simm.s32 @!p0 $0x0;
	[sflag:s7] =	ssyncset.done $0x0  }
0x22: {  	s16 =	sshll.u32 s15, $0xE;
	s15 =	sshll.u32 s15, $0x6;
	s14 =	sshll.u32 s14, $0xE  }
0x23: {  	[sflag:s7] =	ssyncadd.s32 $0xFFFFFFC0;
	s16 =	sor.u32 $0x80, s16;
	s14 =	sor.u32 $0x80, s14  }
.LBB2_3:
0x24: {  	s18 =	sshll.u32 s17, $0x4  }
0x25: {  	s18 =	sand.u32 $0x3FFFFFF0, s18  }
0x26: {  	s18 =	sadd.s32 s18, s15  }
0x27: {  	v0 =	vld.msk [tilespmem:s18+$0x0 ss:$0x1], $0xffff;
	_ =	sdelay $0x4  }
0x28: {  	vm2 =	vgt.s32 v0, $0x0  }
0x29: {  	v0 =	vnsel vm2, $0x0, v0  }
0x2a: {  	v0 =	vmin.u32 v0, $0x18FF  }
0x2b: {  	s31 =	sshll.u32 s17, $0xC;
	v1 =	vshll.u32 v0, $0x5;
	v0 =	vshll.u32 v0, $0x4  }
0x2c: {  	s18 =	sand.u32 $0x3FFFF000, s31;
	v1 =	vand.u32 $0x3FF00, v1;
	v0 =	vand.u32 $0x70, v0  }
0x2d: {  	p1 =	por $0x1, $0x1;
	s19 =	simm.s32 $0x0;
	s18 =	sadd.s32 s18, s16;
	v0 =	vor.u32 v0, v1  }
.LBB2_4:
0x2e: {  	_ =	sdelay $0x1  }
0x2f: {  	s19 =	sshra.s32 s19, $0x2;
	p2 =	por p1, p1  }
.Ltmp3:
0x30: {  	s19 =	sadd.s32 s19, s18;
	(pc) =	sbr.rel @p2 .LBB2_4-.Ltmp3, $4  }
0x31: {  	[tilespmem:s19], [sflag:$0x1] =	stream.indirect_vreg.gather [hbm:s4], $0x80, v0, vm0, $0x38;
	[tilespmem:$0x8080] =	vst v63  }
0x32: {  	s19 =	sadd.s32 $0x800, s19  }
0x33: {  	[tilespmem:s19], [sflag:$0x1] =	stream.indirect_vreg.gather [hbm:s4], $0x80, v0, vm1, $0x38;
	[tilespmem:$0x8080] =	vst v63  }
0x34: {  	p1 =	por $0x0, $0x0;
	v0 =	vadd.s32 $0x80, v0;
	s19 =	simm.s32 $0x1000  }
0x35: {  	s17 =	sadd.s32 $0x1, s17  }
0x36: {  	p1 =	sne.s32 s17, $0x4  }
.Ltmp4:
0x37: {  	_ = 	snop;
	(pc) =	sbr.rel @p1 .LBB2_3-.Ltmp4, $1  }
0x38: {  	_ =	sdelay $0x3  }
0x39: {  	s15 =	sshll.u32 s13, $0x5  }
0x3a: {  	s31 =	sshll.u32 s13, $0x4;
	s15 =	sand.u32 $0xFFFFFF00, s15  }
0x3b: {  	_ =	swait.ge [sflag:s6], $0x4000;
	s13 =	sand.u32 $0x70, s31;
	s15 =	sadd.s32 s15, s9  }
0x3c: {  	s16 =	sadd.s32 $0x800, s14;
	[sflag:s6] =	ssyncset.done $0x0;
	s13 =	sadd.s32 s13, s15  }
0x3d: {  	[sflag:s6] =	ssyncadd.s32 $0xFFFFC000;
	s15 =	simm.s32 $0x100;
	s17 =	sadd.s32 $0x0, s13  }
.LBB2_7:
0x3e: {  	[hbm:s17] =	stream.linear.scatter [tilespmem:s14], [sflag:$0x3], $0x800, $0x38;
	[tilespmem:$0x8080] =	vst v63  }
0x3f: {  	s17 =	smov.u32 s15;
	s14 =	smov.u32 s16;
	p1 =	sne.s32 s15, $0x700  }
.Ltmp5:
0x40: {  	s15 =	sadd.s32 $0x100, s15;
	(pc) =	sbr.rel @p1 .LBB2_7-.Ltmp5, $2  }
0x41: {  	_ =	sdelay $0x2  }
0x42: {  	s16 =	sadd.s32 $0x800, s16;
	s17 =	sadd.s32 s17, s13  }
.Ltmp6:
0x43: {  	_ = 	snop;
	(pc) =	sbr.rel .LBB2_8-.Ltmp6, $1  }
0x44: {  	_ =	sdelay $0x3  }
.LBB2_10:
0x45: {  	_ =	sfence.sel $0x180000  }
0x46: {  	s2 =	simm.s32 $0x2;
	[bflag:$0x0] =	sbarrier.arrive $0xFFFF  }
0x47: {  	s30 =	simm.s32 $0x3;
	[sflag:s2] =	ssyncpa.u1 $0x1  }
0x48: {  	s31 =	simm.s32 $0x1;
	[sflag:s30] =	ssyncpa.u1 $0x1  }
0x49: {  	[sflag:s31] =	ssyncpa.u1 $0x1  }
0x4a: {  	p0 =	sne.s32 s0, $0x0;
	_ =	strace $0x90000047  }
0x4b: {  	s0 =	sadd.s32 @!p0 $0x100000, s1;
	[bflag:$0x2] =	sbarrier.arrive $0xFFFF  }
0x4c: {  	[sflag:s0] =	ssyncadd.tile.s32 @!p0 $0x1;
	_ =	shalt  }
.Lfunc_end2:
_tile_overlayer_lowered:
.L_overlay_start_2:
0x4d: {  	(tag) =	ssettag $0x2  }
0x4e: {  	s0 =	rddreg [dreg:$0x0];
	s2 =	stileid.u32  }
0x4f: {  	s1 =	rddreg [dreg:$0x1];
	p0 =	sne.s32 s2, $0x0  }
0x50: {  	s3 =	rddreg [dreg:$0x2];
	[bflag:$0x3] =	sbarrier.arrive $0xFFFF;
	s2 =	simm.s32 @!p0 $0x1C01  }
0x51: {  	[timem:s3], [sflag:s2] =	dma.local @!p0 [hbm:s0], s1  }
0x52: {  	s0 =	simm.s32 @!p0 $0x1  }
0x53: {  	_ =	swait.ge @!p0 [sflag:s0], s1  }
0x54: {  	s1 =	ssub.s32 @!p0 $0x0, s1;
	[sflag:s0] =	ssyncset.done @!p0 $0x0  }
0x55: {  	[sflag:s0] =	ssyncadd.s32 @!p0 s1  }
0x56: {  	[bflag:$0x3] =	sbarrier.arrive $0xFFFF  }
0x57: {  	_ =	shalt  }

// kernel: gather_offload_async_start
scs
__scs_entry_jumppad:
0x0: {  	(pc) =	sbr.rel $0x88, $3  }
0x1: {  	(tag) =	ssettag $0x0;
	lr =	simm.s32 $0x1  }
0x2: {  	[smem:$0x3F8C] =	sst lr;
	_ =	strace $0xD0000000  }
0x3: {  	_ = 	snop  }
0x4: {  	_ = 	snop  }
0x5: {  	_ = 	snop  }
0x6: {  	_ = 	snop  }
0x7: {  	_ = 	snop  }
__scs_overlays_trampoline_lowered:
0x8: {  	[smem:$0x3F9B] =	sst s0  }
0x9: {  	[smem:$0x3F9C] =	sst s1  }
0xa: {  	[smem:$0x3F9D] =	sst s2  }
0xb: {  	[smem:$0x3F9E] =	sst s3  }
0xc: {  	[smem:$0x3F9F] =	sst s4  }
0xd: {  	[smem:$0x3FA0] =	sst s5  }
0xe: {  	[smem:$0x3FA1] =	sst s6  }
0xf: {  	[smem:$0x3FA2] =	sst s7  }
0x10: {  	[smem:$0x3FA3] =	sst s8  }
0x11: {  	[smem:$0x3FA4] =	sst s9;
	s0 =	simm.s32 @!p0 $0x0  }
0x12: {  	s1 =	sld [smem:$0x3F8A];
	s0 =	simm.s32 @p0 $0x1  }
0x13: {  	[smem:$0x3FA5] =	sst s0;
	s0 =	simm.s32 @!p1 $0x0  }
0x14: {  	s2 =	sld [smem:$0x3F89];
	s0 =	simm.s32 @p1 $0x1  }
0x15: {  	[smem:$0x3FA6] =	sst s0;
	s0 =	simm.s32 @!p2 $0x0  }
0x16: {  	s3 =	sld [smem:$0x3FDB];
	s0 =	simm.s32 @p2 $0x1  }
0x17: {  	s4 =	simm.s32 $0x1BF5;
	[smem:$0x3FA8] =	sst s0  }
0x18: {  	s0 =	sld [smem:$0x3F8B];
	_ =	swait.ge [sflag:s4], $0x0  }
0x19: {  	s7 =	sld [smem:$0x3F8C]  }
0x1a: {  	s8 =	sadd.s32 $0xFFFFE003, lr  }
0x1b: {  	s9 =	sadd.s32 $0xFFFFFEF7, lr;
	s5 =	simm.s32 $0xFFFFFFFF;
	p2 =	slt.u32 s8, $0xFFFFF086  }
0x1c: {  	p1 =	slt.u32 s9, $0xF7A;
	s5 =	simm.s32 @!p2 $0x0  }
0x1d: {  	s5 =	simm.s32 @p1 $0x1;
	p0 =	seq.s32 s7, s2  }
0x1e: {  	s7 =	smul.u32 @!p0 $0xF7A, s2;
	p2 =	seq.s32 @!p0 s5, $0x0  }
0x1f: {  	s9 =	smul.u32 $0xF7A, s1;
	s8 =	simm.s32 @!p0 $0x1BF5;
	p2 =	por !p2, p0  }
0x20: {  	[sflag:s8] =	ssyncset.s32 @!p0 $0xFFFFF086;
	s6 =	sadd.s32 @!p0 s3, s7;
	s7 =	simm.s32 @!p0 $0x108  }
0x21: {  	s3 =	sadd.s32 s3, s9;
	s6 =	sadd.s32 @!p0 $0x88, s6;
	s7 =	simm.s32 @p2 $0x1082  }
0x22: {  	[simem:s7], [sflag:s8] =	dma.local @!p0 [hbm:s6], $0xF7A  }
0x23: {  	s9 =	sor.u32 $0xD0000000, s2;
	s6 =	simm.s32 $0x108;
	_ =	swait.ge @!p0 [sflag:s8], $0x0  }
0x24: {  	s3 =	sadd.s32 $0x88, s3;
	s6 =	simm.s32 @!p1 $0x1082;
	[sflag:s4] =	ssyncset.s32 $0xFFFFF086  }
0x25: {  	[simem:s6], [sflag:s4] =	dma.local [hbm:s3], $0xF7A  }
0x26: {  	[smem:$0x3F8C] =	sst s1;
	(tag) =	ssettag s2;
	_ =	strace s9  }
0x27: {  	s1 =	sld [smem:$0x3F9C]  }
0x28: {  	s2 =	sld [smem:$0x3F9D]  }
0x29: {  	s4 =	sld [smem:$0x3F9F]  }
0x2a: {  	p0 =	seq.s32 s5, $0x0;
	s5 =	sld [smem:$0x3FA0]  }
0x2b: {  	s6 =	sld [smem:$0x3FA1]  }
0x2c: {  	s7 =	sld [smem:$0x3FA2]  }
0x2d: {  	s3 =	simm.s32 $0x108;
	s8 =	sld [smem:$0x3FA3]  }
0x2e: {  	s3 =	simm.s32 @!p0 $0x1082;
	s9 =	sld [smem:$0x3FA4]  }
0x2f: {  	lr =	sadd.s32 s0, s3;
	s0 =	sld [smem:$0x3F9B]  }
0x30: {  	s3 =	sld [smem:$0x3F9E]  }
0x31: {  	[smem:$0x3FA7] =	sst s10  }
0x32: {  	s10 =	sld [smem:$0x3FA5];
	_ =	sdelay $0x3  }
0x33: {  	p0 =	seq.s32 s10, $0x1;
	s10 =	sld [smem:$0x3FA7];
	_ =	sdelay $0x3  }
0x34: {  	[smem:$0x3FA7] =	sst s10  }
0x35: {  	s10 =	sld [smem:$0x3FA6];
	_ =	sdelay $0x3  }
0x36: {  	p1 =	seq.s32 s10, $0x1;
	s10 =	sld [smem:$0x3FA7];
	_ =	sdelay $0x3  }
0x37: {  	[smem:$0x3FA7] =	sst s10  }
0x38: {  	s10 =	sld [smem:$0x3FA8]  }
0x39: {  	_ = 	snop;
	(pc) =	sbr.ind lr, $3  }
0x3a: {  	_ = 	snop  }
0x3b: {  	_ = 	snop  }
0x3c: {  	p2 =	seq.s32 s10, $0x1;
	s10 =	sld [smem:$0x3FA7]  }
0x3d: {  	_ =	shalt  }
0x3e: {  	_ =	shalt  }
0x3f: {  	_ =	shalt  }
0x40: {  	_ =	shalt  }
0x41: {  	_ =	shalt  }
0x42: {  	_ =	shalt  }
0x43: {  	_ =	shalt  }
0x44: {  	_ =	shalt  }
0x45: {  	_ =	shalt  }
0x46: {  	_ =	shalt  }
0x47: {  	_ =	shalt  }
0x48: {  	_ =	shalt  }
0x49: {  	_ =	shalt  }
0x4a: {  	_ =	shalt  }
0x4b: {  	_ =	shalt  }
0x4c: {  	_ =	shalt  }
0x4d: {  	_ =	shalt  }
0x4e: {  	_ =	shalt  }
0x4f: {  	_ =	shalt  }
0x50: {  	_ =	shalt  }
0x51: {  	_ =	shalt  }
0x52: {  	_ =	shalt  }
0x53: {  	_ =	shalt  }
0x54: {  	_ =	shalt  }
0x55: {  	_ =	shalt  }
0x56: {  	_ =	shalt  }
0x57: {  	_ =	shalt  }
0x58: {  	_ =	shalt  }
0x59: {  	_ =	shalt  }
0x5a: {  	_ =	shalt  }
0x5b: {  	_ =	shalt  }
0x5c: {  	_ =	shalt  }
0x5d: {  	_ =	shalt  }
0x5e: {  	_ =	shalt  }
0x5f: {  	_ =	shalt  }
0x60: {  	_ =	shalt  }
0x61: {  	_ =	shalt  }
0x62: {  	_ =	shalt  }
0x63: {  	_ =	shalt  }
0x64: {  	_ =	shalt  }
0x65: {  	_ =	shalt  }
0x66: {  	_ =	shalt  }
0x67: {  	_ =	shalt  }
0x68: {  	_ =	shalt  }
0x69: {  	_ =	shalt  }
0x6a: {  	_ =	shalt  }
0x6b: {  	_ =	shalt  }
0x6c: {  	_ =	shalt  }
0x6d: {  	_ =	shalt  }
0x6e: {  	_ =	shalt  }
0x6f: {  	_ =	shalt  }
0x70: {  	_ =	shalt  }
0x71: {  	_ =	shalt  }
0x72: {  	_ =	shalt  }
0x73: {  	_ =	shalt  }
0x74: {  	_ =	shalt  }
0x75: {  	_ =	shalt  }
0x76: {  	_ =	shalt  }
0x77: {  	_ =	shalt  }
0x78: {  	_ =	shalt  }
0x79: {  	_ =	shalt  }
0x7a: {  	_ =	shalt  }
0x7b: {  	_ =	shalt  }
0x7c: {  	_ =	shalt  }
0x7d: {  	_ =	shalt  }
0x7e: {  	_ =	shalt  }
0x7f: {  	_ =	shalt  }
0x80: {  	_ =	shalt  }
0x81: {  	_ =	shalt  }
0x82: {  	_ =	shalt  }
0x83: {  	_ =	shalt  }
0x84: {  	_ =	shalt  }
0x85: {  	_ =	shalt  }
0x86: {  	_ =	shalt  }
0x87: {  	_ =	shalt  }
.Lfunc_end0:
.L_simem_size_0:
called_computation_lowered:
.L_overlay_start_0:
0x88: {  	s2 =	sld [smem:$0x3FD9]  }
0x89: {  	s3 =	sld [smem:$0x3FFE];
	_ =	sdelay $0x1  }
0x8a: {  	s1 =	srdreg.scid  }
0x8b: {  	s0 =	sand.u32 $0x1, s1  }
0x8c: {  	s15 =	sshll.u32 s0, $0xA;
	s2 =	sadd.s32 s3, s2  }
0x8d: {  	s2 =	sadd.s32 s2, s15  }
0x8e: {  	[smem:$0x3FB3] =	sst s2  }
0x8f: {  	_ = 	snop  }
0x90: {  	s2 =	sld [smem:$0x3FD0];
	_ =	sdelay $0x2  }
0x91: {  	s16 =	simm.s32 $0xB;
	s4 =	simm.s32 $0x10  }
0x92: {  	[smem:s4], [sflag:s16] =	dma.local [hbm:s2], $0x1  }
0x93: {  	_ =	swait.eq [sflag:s16], $0x1  }
0x94: {  	[sflag:s16] =	ssyncset.done $0x0  }
0x95: {  	[sflag:s16] =	ssyncadd.s32 $0xFFFFFFFF  }
0x96: {  	s17 =	sld [smem:$0x10];
	(tm) =	ssettm $0x1  }
0x97: {  	s18 =	sld [smem:$0x3FFB];
	_ =	sdelay $0x3  }
0x98: {  	_ =	strace s18  }
0x99: {  	s2 =	sld [smem:$0x3FFC];
	_ =	sdelay $0x3  }
0x9a: {  	_ =	strace s2  }
0x9b: {  	s2 =	sld [smem:$0x3FFD];
	_ =	sdelay $0x3  }
0x9c: {  	_ =	strace s2  }
0x9d: {  	_ =	strace $0x8FFFFFFF  }
0x9e: {  	s19 =	sld [smem:$0x3FDB];
	_ =	sdelay $0x1  }
0x9f: {  	s20 =	simm.s32 $_scs_section_size  }
0xa0: {  	s5 =	simm.s32 $_size__tile_overlayer_lowered;
	s6 =	simm.s32 $_tile_overlayer_lowered  }
0xa1: {  	s7 =	simm.s32 $0x1BFF;
	s21 =	sshll.u32 s6, $0x1;
	s4 =	sadd.s32 s20, s19  }
0xa2: {  	s22 =	simm.s32 $0x0;
	s5 =	sshll.u32 s5, $0x1;
	s6 =	sadd.s32 s21, s4  }
0xa3: {  	[timem:s22], [sflag:s7] =	dma.local [hbm:s6], s5  }
0xa4: {  	_ =	swait.ge [sflag:s7], s5  }
0xa5: {  	s5 =	ssub.s32 $0x0, s5;
	[sflag:s7] =	ssyncset.done $0x0  }
0xa6: {  	[sflag:s7] =	ssyncadd.s32 s5;
	_ =	sdelay $0x1  }
0xa7: {  	s23 =	simm.s32 $0x1B8B  }
0xa8: {  	_ =	swait.ge [sflag:s23], $0x1  }
0xa9: {  	[sflag:s23] =	ssyncset.done $0x0  }
0xaa: {  	[sflag:s23] =	ssyncadd.s32 $0xFFFFFFFF  }
0xab: {  	s5 =	sld [smem:$0x0]  }
0xac: {  	s6 =	sand.u32 $0xFFFFFFFE, s1  }
0xad: {  	p0 =	sne.s32 s1, s6  }
0xae: {  	s6 =	sshll.u32 @p0 s6, $0xE  }
0xaf: {  	s6 =	sadd.s32 @p0 $0x11B8D, s6;
	s7 =	sshll.u32 @p0 s5, $0x11  }
0xb0: {  	s6 =	sor.u32 @p0 s7, s6  }
0xb1: {  	[sflag:s6] =	ssyncadd.remote.s32 @p0 $0x1;
	_ =	sdelay $0x1  }
0xb2: {  	s6 =	simm.s32 @p0 $0x1B8D  }
0xb3: {  	_ =	swait.eq @p0 [sflag:s6], $0x1  }
0xb4: {  	[sflag:s6] =	ssyncadd.s32 @p0 $0xFFFFFFFF  }
0xb5: {  	s7 =	sshll.u32 @!p0 s1, $0xE  }
0xb6: {  	s7 =	sor.u32 @!p0 $0x4000, s7;
	s6 =	simm.s32 @!p0 $0x1B8D  }
0xb7: {  	s5 =	sshll.u32 @!p0 s5, $0x11;
	s7 =	sadd.s32 @!p0 $0x11B8D, s7;
	_ =	swait.eq @!p0 [sflag:s6], $0x1  }
0xb8: {  	s5 =	sor.u32 @!p0 s5, s7;
	[sflag:s6] =	ssyncadd.s32 @!p0 $0xFFFFFFFF  }
0xb9: {  	s25 =	simm.s32 $0x1B8E;
	s24 =	sld [smem:$0x3FFE];
	[sflag:s5] =	ssyncadd.remote.s32 @!p0 $0x1  }
0xba: {  	s26 =	simm.s32 $execute0_lowered;
	[smem:$0x3FD2] =	sst s25  }
0xbb: {  	s6 =	sshll.u32 s26, $0x1;
	_ =	strace $0x80000049;
	[dreg:$0x1] =	wrdreg $0xFFFFFFFF  }
0xbc: {  	s28 =	simm.s32 $_size_execute0_lowered;
	s4 =	sadd.s32 s4, s6;
	[dreg:$0x0] =	wrdreg $0x0  }
0xbd: {  	s6 =	sshll.u32 s28, $0x1;
	[dreg:$0x2] =	wrdreg s4  }
0xbe: {  	[dreg:$0x3] =	wrdreg s6  }
0xbf: {  	[dreg:$0x4] =	wrdreg $0xC0  }
0xc0: {  	_ =	task [dreg:s22], $0x5FFFF  }
0xc1: {  	[dreg:$0x1] =	wrdreg $0xFFFFFFFF  }
0xc2: {  	[dreg:$0x0] =	wrdreg $0x60  }
0xc3: {  	[dreg:$0x2] =	wrdreg s24  }
0xc4: {  	[dreg:$0x3] =	wrdreg s17  }
0xc5: {  	[dreg:$0x4] =	wrdreg $0x9  }
0xc6: {  	_ =	task.clear_ibuf [dreg:s22], $0x5FFFF;
	_ =	strace $0x90000049  }
0xc7: {  	s29 =	simm.s32 $0x9;
	_ =	strace $0x8000004B  }
0xc8: {  	_ =	swait.ge [sflag:s29], $0x1  }
0xc9: {  	[sflag:s29] =	ssyncadd.s32 $0xFFFFFFFF  }
0xca: {  	_ =	strace $0x9000004B  }
0xcb: {  	_ =	sfence  }
0xcc: {  	s30 =	sld [smem:$0x0];
	_ =	sdelay $0x2  }
0xcd: {  	s31 =	sshll.u32 s1, $0xD;
	s1 =	sshrl.u32 s1, $0x2  }
0xce: {  	s4 =	sand.u32 $0x4000, s31;
	s1 =	sadd.s32 s1, s30  }
0xcf: {  	s0 =	sor.u32 s4, s0;
	s1 =	sshll.u32 s1, $0x11  }
0xd0: {  	s0 =	sor.u32 s1, s0  }
0xd1: {  	s0 =	sadd.s32 $0x8F2B, s0  }
0xd2: {  	[sflag:s0] =	ssyncadd.remote.s32 $0x1  }
0xd3: {  	_ =	sfence.sel $0xFFFF  }
0xd4: {  	[dreg:$0x0] =	wrdreg $0xFFFFFFFF;
	(pc) =	sbr.abs _section_cstart, $3  }
0xd5: {  	[dreg:$0x1] =	wrdreg $0xFFFFFFFF  }
0xd6: {  	_ =	task.clear_ibuf [dreg:s22], $0x2FFFF;
	_ =	strace $0x9FFFFFFF  }
0xd7: {  	(tm) =	ssettm $0x7FFFFFFF  }
tec
execute0_lowered:
.L_overlay_start_1:
0x0: {  	(tag) =	ssettag $0x1  }
0x1: {  	s0 =	srdreg.scid  }
0x2: {  	s1 =	sshll.u32 s0, $0x4  }
0x3: {  	s0 =	stileid.u32;
	s1 =	sand.u32 $0x10, s1  }
0x4: {  	s9 =	rddreg [dreg:$0x0];
	s1 =	sor.u32 s0, s1  }
0x5: {  	s3 =	rddreg [dreg:$0x1];
	s2 =	smin.u32 s1, $0x4  }
0x6: {  	p0 =	slt.u32 s1, $0x4;
	s2 =	sadd.s32 s1, s2;
	s1 =	simm.s32 $0x80  }
0x7: {  	s6 =	simm.s32 $0x1;
	s2 =	sshll.u32 s2, $0x6;
	s1 =	simm.s32 @!p0 $0x40  }
0x8: {  	s7 =	simm.s32 $0x2;
	s10 =	simm.s32 $0x3;
	s4 =	sadd.s32 s1, s2  }
0x9: {  	s13 =	simm.s32 $0x0;
	s12 =	simm.s32 $0x0;
	s4 =	smin.u32 s4, $0x900  }
.Ltmp0:
0xa: {  	s5 =	sadd.s32 $0x97200, s9;
	s8 =	ssub.s32 s4, s2;
	(pc) =	sbr.rel .LBB2_1-.Ltmp0, $4  }
0xb: {  	s1 =	rddreg [dreg:$0x2];
	_ =	strace $0x8000004A;
	p0 =	sgt.s32 s8, $0x0  }
0xc: {  	s9 =	sadd.s32 $0x97000, s9;
	[sflag:s6] =	ssyncpa.u1 $0x0;
	s8 =	simm.s32 @!p0 $0x0  }
0xd: {  	s11 =	smov.u32 s2;
	[sflag:s7] =	ssyncpa.u1 $0x0;
	s8 =	sshrl.u32 s8, $0x6  }
0xe: {  	vm0 =	vmmov $0xff;
	vm1 =	vcmask $0x3F20;
	[sflag:s10] =	ssyncpa.u1 $0x0;
	p0 =	por $0x0, $0x0;
	s10 =	sadd.s32 $0x1, s8  }
.LBB2_8:
0xf: {  	[hbm:s17] =	stream.linear.scatter [tilespmem:s14], [sflag:$0x3], $0x800, $0x38;
	[tilespmem:$0x8080] =	vst v63  }
.LBB2_9:
0x10: {  	s13 =	sadd.s32 $0x40, s11  }
0x11: {  	s15 =	smov.u32 s2;
	p2 =	slt.s32 s13, s4  }
0x12: {  	s15 =	smov.u32 @p2 s13;
	p2 =	sne.s32 s12, s10  }
.Ltmp1:
0x13: {  	p1 =	slt.u32 s12, $0x2;
	(pc) =	sbr.rel @!p2 .LBB2_10-.Ltmp1, $4  }
0x14: {  	s14 =	simm.s32 @!p1 $0x3  }
0x15: {  	s16 =	sadd.s32 $0x1, s12;
	_ =	swait.ge @!p1 [sflag:s14], $0x4000  }
0x16: {  	p0 =	por !p0, !p0;
	s13 =	smov.u32 s11;
	[sflag:s14] =	ssyncset.done @!p1 $0x0  }
0x17: {  	s12 =	smov.u32 s16;
	s11 =	smov.u32 s15;
	[sflag:s14] =	ssyncadd.s32 @!p1 $0xFFFFC000  }
.LBB2_1:
0x18: {  	p1 =	sge.u32 s12, s8  }
0x19: {  	s14 =	sxor.u32 @!p1 $0xFFFFFFFF, s12  }
0x1a: {  	s31 =	sadd.s32 $0xFFFFFFFF, s12;
	s15 =	sshrl.u32 @!p1 s11, $0x3;
	s14 =	sshll.u32 @!p1 s14, $0x6  }
0x1b: {  	s16 =	sand.u32 @!p1 $0x7, s11;
	s15 =	sadd.s32 @!p1 s9, s15;
	s14 =	sand.u32 @!p1 $0x40, s14  }
0x1c: {  	[tilespmem:s14], [sflag:$0x2] =	stream.linear.gather @!p1 [hbm4b:s15+s16], $0x40, $0x38;
	[tilespmem:$0x8080] =	vst v63  }
0x1d: {  	p1 =	sge.u32 s31, s8  }
.Ltmp2:
0x1e: {  	_ = 	snop;
	(pc) =	sbr.rel @p1 .LBB2_9-.Ltmp2, $1  }
0x1f: {  	_ =	sdelay $0x3  }
0x20: {  	s14 =	simm.s32 $0x1;
	_ =	swait.ge [sflag:s7], $0x40;
	s15 =	sand.u32 $0x1, s12  }
0x21: {  	s17 =	simm.s32 $0x0;
	s14 =	simm.s32 @!p0 $0x0;
	[sflag:s7] =	ssyncset.done $0x0  }
0x22: {  	s16 =	sshll.u32 s15, $0xE;
	s15 =	sshll.u32 s15, $0x6;
	s14 =	sshll.u32 s14, $0xE  }
0x23: {  	[sflag:s7] =	ssyncadd.s32 $0xFFFFFFC0;
	s16 =	sor.u32 $0x80, s16;
	s14 =	sor.u32 $0x80, s14  }
.LBB2_3:
0x24: {  	s18 =	sshll.u32 s17, $0x4  }
0x25: {  	s18 =	sand.u32 $0x3FFFFFF0, s18  }
0x26: {  	s18 =	sadd.s32 s18, s15  }
0x27: {  	v0 =	vld.msk [tilespmem:s18+$0x0 ss:$0x1], $0xffff;
	_ =	sdelay $0x4  }
0x28: {  	vm2 =	vgt.s32 v0, $0x0  }
0x29: {  	v0 =	vnsel vm2, $0x0, v0  }
0x2a: {  	v0 =	vmin.u32 v0, $0x18FF  }
0x2b: {  	s31 =	sshll.u32 s17, $0xC;
	v1 =	vshll.u32 v0, $0x5;
	v0 =	vshll.u32 v0, $0x4  }
0x2c: {  	s18 =	sand.u32 $0x3FFFF000, s31;
	v1 =	vand.u32 $0x3FF00, v1;
	v0 =	vand.u32 $0x70, v0  }
0x2d: {  	p1 =	por $0x1, $0x1;
	s19 =	simm.s32 $0x0;
	s18 =	sadd.s32 s18, s16;
	v0 =	vor.u32 v0, v1  }
.LBB2_4:
0x2e: {  	_ =	sdelay $0x1  }
0x2f: {  	s19 =	sshra.s32 s19, $0x2;
	p2 =	por p1, p1  }
.Ltmp3:
0x30: {  	s19 =	sadd.s32 s19, s18;
	(pc) =	sbr.rel @p2 .LBB2_4-.Ltmp3, $4  }
0x31: {  	[tilespmem:s19], [sflag:$0x1] =	stream.indirect_vreg.gather [hbm:s5], $0x80, v0, vm0, $0x38;
	[tilespmem:$0x8080] =	vst v63  }
0x32: {  	s19 =	sadd.s32 $0x800, s19  }
0x33: {  	[tilespmem:s19], [sflag:$0x1] =	stream.indirect_vreg.gather [hbm:s5], $0x80, v0, vm1, $0x38;
	[tilespmem:$0x8080] =	vst v63  }
0x34: {  	p1 =	por $0x0, $0x0;
	v0 =	vadd.s32 $0x80, v0;
	s19 =	simm.s32 $0x1000  }
0x35: {  	s17 =	sadd.s32 $0x1, s17  }
0x36: {  	p1 =	sne.s32 s17, $0x4  }
.Ltmp4:
0x37: {  	_ = 	snop;
	(pc) =	sbr.rel @p1 .LBB2_3-.Ltmp4, $1  }
0x38: {  	_ =	sdelay $0x3  }
0x39: {  	s15 =	sshll.u32 s13, $0x5  }
0x3a: {  	s31 =	sshll.u32 s13, $0x4;
	s15 =	sand.u32 $0xFFFFFF00, s15  }
0x3b: {  	_ =	swait.ge [sflag:s6], $0x4000;
	s13 =	sand.u32 $0x70, s31;
	s15 =	sadd.s32 s15, s3  }
0x3c: {  	s16 =	sadd.s32 $0x800, s14;
	[sflag:s6] =	ssyncset.done $0x0;
	s13 =	sadd.s32 s13, s15  }
0x3d: {  	[sflag:s6] =	ssyncadd.s32 $0xFFFFC000;
	s15 =	simm.s32 $0x100;
	s17 =	sadd.s32 $0x0, s13  }
.LBB2_7:
0x3e: {  	[hbm:s17] =	stream.linear.scatter [tilespmem:s14], [sflag:$0x3], $0x800, $0x38;
	[tilespmem:$0x8080] =	vst v63  }
0x3f: {  	s17 =	smov.u32 s15;
	s14 =	smov.u32 s16;
	p1 =	sne.s32 s15, $0x700  }
.Ltmp5:
0x40: {  	s15 =	sadd.s32 $0x100, s15;
	(pc) =	sbr.rel @p1 .LBB2_7-.Ltmp5, $2  }
0x41: {  	_ =	sdelay $0x2  }
0x42: {  	s16 =	sadd.s32 $0x800, s16;
	s17 =	sadd.s32 s17, s13  }
.Ltmp6:
0x43: {  	_ = 	snop;
	(pc) =	sbr.rel .LBB2_8-.Ltmp6, $1  }
0x44: {  	_ =	sdelay $0x3  }
.LBB2_10:
0x45: {  	_ =	sfence.sel $0x180000  }
0x46: {  	s2 =	simm.s32 $0x2;
	[bflag:$0x0] =	sbarrier.arrive $0xFFFF  }
0x47: {  	s30 =	simm.s32 $0x3;
	[sflag:s2] =	ssyncpa.u1 $0x1  }
0x48: {  	s31 =	simm.s32 $0x1;
	[sflag:s30] =	ssyncpa.u1 $0x1  }
0x49: {  	[sflag:s31] =	ssyncpa.u1 $0x1  }
0x4a: {  	p0 =	sne.s32 s0, $0x0;
	_ =	strace $0x9000004A  }
0x4b: {  	s0 =	sadd.s32 @!p0 $0x100000, s1;
	[bflag:$0x2] =	sbarrier.arrive $0xFFFF  }
0x4c: {  	[sflag:s0] =	ssyncadd.tile.s32 @!p0 $0x1;
	_ =	shalt  }
.Lfunc_end2:
_tile_overlayer_lowered:
.L_overlay_start_2:
0x4d: {  	(tag) =	ssettag $0x2  }
0x4e: {  	s0 =	rddreg [dreg:$0x0];
	s2 =	stileid.u32  }
0x4f: {  	s1 =	rddreg [dreg:$0x1];
	p0 =	sne.s32 s2, $0x0  }
0x50: {  	s3 =	rddreg [dreg:$0x2];
	[bflag:$0x3] =	sbarrier.arrive $0xFFFF;
	s2 =	simm.s32 @!p0 $0x1C01  }
0x51: {  	[timem:s3], [sflag:s2] =	dma.local @!p0 [hbm:s0], s1  }
0x52: {  	s0 =	simm.s32 @!p0 $0x1  }
0x53: {  	_ =	swait.ge @!p0 [sflag:s0], s1  }
0x54: {  	s1 =	ssub.s32 @!p0 $0x0, s1;
	[sflag:s0] =	ssyncset.done @!p0 $0x0  }
0x55: {  	[sflag:s0] =	ssyncadd.s32 @!p0 s1  }
0x56: {  	[bflag:$0x3] =	sbarrier.arrive $0xFFFF  }
0x57: {  	_ =	shalt  }

</sc_bundles>
